<compile_context>
chip_gen: v7x
topology: tpu7x:2x2x1
jax: 0.10.2.dev20260603
libtpu: 0.0.44.dev20260713+nightly
codegen_flags: <defaults>
</compile_context>

<pallas_src>
import dataclasses
import functools

import jax
import jax.numpy as jnp
from jax import lax
from jax.experimental import pallas as pl
from jax.experimental.pallas import tpu as pltpu
from jax.experimental.pallas import tpu_sc as plsc

_B = 16384
_F = 26
_V = 100000
_D = 16
_H1 = 512
_H2 = 256
_K = 100
_EPS = 1e-8
_FD = _F * _D
_NW = 32
_RPW = _FD // _NW
_CH = 4096
_NCH = _B // _CH
_L = 16
_BB = 2048


def _sc_compiler_params():
    cp = pltpu.CompilerParams(use_tc_tiling_on_sc=True)
    if "needs_layout_passes" in pltpu.CompilerParams.__dataclass_fields__:
        cp = dataclasses.replace(cp, needs_layout_passes=False)
    return cp


def _sc_gather_t(tab_t, x_t):
    mesh = plsc.VectorSubcoreMesh(core_axis_name="c", subcore_axis_name="s")

    @functools.partial(
        pl.kernel,
        out_type=jax.ShapeDtypeStruct((_FD, _B), jnp.float32),
        mesh=mesh,
        compiler_params=_sc_compiler_params(),
        scratch_types=[
            pltpu.VMEM((_V,), jnp.float32),
            pltpu.VMEM((_CH,), jnp.int32),
            pltpu.VMEM((_CH,), jnp.int32),
            pltpu.VMEM((_CH,), jnp.float32),
            pltpu.VMEM((_CH,), jnp.float32),
            pltpu.SemaphoreType.DMA,
            pltpu.SemaphoreType.DMA,
            pltpu.SemaphoreType.DMA,
            pltpu.SemaphoreType.DMA,
            pltpu.SemaphoreType.DMA,
        ],
    )
    def gather_kernel(tab_hbm, x_hbm, out_hbm, slab, xb0, xb1, ob0, ob1,
                      sem_t, sx0, sx1, so0, so1):
        wid = lax.axis_index("s") * 2 + lax.axis_index("c")
        r0 = wid * _RPW
        xbs, sxs = (xb0, xb1), (sx0, sx1)
        obs, sos = (ob0, ob1), (so0, so1)

        @pl.loop(0, _RPW)
        def _(i):
            r = r0 + i
            f = r // _D
            slab_cp = pltpu.async_copy(tab_hbm.at[r], slab, sem_t)
            x_cps = [pltpu.async_copy(x_hbm.at[f, pl.ds(0, _CH)], xb0, sx0),
                     None]
            slab_cp.wait()
            o_cps = [None, None]
            for c in range(_NCH):
                k = c & 1
                x_cps[k].wait()
                if c + 1 < _NCH:
                    x_cps[(c + 1) & 1] = pltpu.async_copy(
                        x_hbm.at[f, pl.ds((c + 1) * _CH, _CH)],
                        xbs[(c + 1) & 1], sxs[(c + 1) & 1])
                if o_cps[k] is not None:
                    o_cps[k].wait()
                xb, ob = xbs[k], obs[k]

                @pl.loop(0, _CH // (_L * 16))
                def _(j):
                    for u in range(16):
                        o = j * (_L * 16) + u * _L
                        ob[pl.ds(o, _L)] = plsc.load_gather(
                            slab, [xb[pl.ds(o, _L)]])

                o_cps[k] = pltpu.async_copy(
                    ob, out_hbm.at[r, pl.ds(c * _CH, _CH)], sos[k])
            o_cps[0].wait()
            o_cps[1].wait()

    return gather_kernel(tab_t, x_t)


_DN_TT = (((0,), (0,)), ((), ()))
_DN_NN = (((1,), (0,)), ((), ()))


def _mlp_t_body(e_ref, mg_ref, w1_ref, b1_ref, w2_ref, b2_ref, wo_ref,
                bo_ref, o_ref):
    e = e_ref[...]
    mg = mg_ref[...]
    s = lax.dot_general(mg, e * e, _DN_TT,
                        preferred_element_type=jnp.float32)
    scale = jnp.minimum(1.0, 1.0 / jnp.maximum(jnp.sqrt(s), _EPS))
    e = e * lax.dot_general(mg, scale, _DN_NN,
                            preferred_element_type=jnp.float32)
    h = jnp.maximum(
        lax.dot_general(w1_ref[...], e.astype(jnp.bfloat16), _DN_TT,
                        preferred_element_type=jnp.float32) + b1_ref[...],
        0.0)
    h = jnp.maximum(
        lax.dot_general(w2_ref[...], h.astype(jnp.bfloat16), _DN_TT,
                        preferred_element_type=jnp.float32) + b2_ref[...],
        0.0)
    o_ref[...] = lax.dot_general(
        wo_ref[...], h.astype(jnp.bfloat16), _DN_TT,
        preferred_element_type=jnp.float32) + bo_ref[...]


def _tc_mlp_t(emb_t, mg, w1, b1, w2, b2, wo, bo):
    return pl.pallas_call(
        _mlp_t_body,
        grid=(_B // _BB,),
        in_specs=[
            pl.BlockSpec((_FD, _BB), lambda i: (0, i)),
            pl.BlockSpec((_FD, _F), lambda i: (0, 0)),
            pl.BlockSpec((_FD, _H1), lambda i: (0, 0)),
            pl.BlockSpec((_H1, 1), lambda i: (0, 0)),
            pl.BlockSpec((_H1, _H2), lambda i: (0, 0)),
            pl.BlockSpec((_H2, 1), lambda i: (0, 0)),
            pl.BlockSpec((_H2, _K), lambda i: (0, 0)),
            pl.BlockSpec((_K, 1), lambda i: (0, 0)),
        ],
        out_specs=pl.BlockSpec((_K, _BB), lambda i: (0, i)),
        out_shape=jax.ShapeDtypeStruct((_K, _B), jnp.float32),
    )(emb_t, mg, w1, b1, w2, b2, wo, bo)


def kernel(x_data, tables, W1, b1, W2, b2, Wout, bout):
    tab_t = tables.transpose(0, 2, 1).reshape(_FD, _V)
    x_t = x_data.T.astype(jnp.int32)

    emb_t = _sc_gather_t(tab_t, x_t)

    group = jnp.arange(_FD, dtype=jnp.int32) // _D
    mg = (group[:, None] == jnp.arange(_F, dtype=jnp.int32)[None, :])
    mg = mg.astype(jnp.float32)
    o_t = _tc_mlp_t(emb_t, mg, W1.astype(jnp.bfloat16), b1.reshape(_H1, 1),
                    W2.astype(jnp.bfloat16), b2.reshape(_H2, 1),
                    Wout.astype(jnp.bfloat16), bout.reshape(_K, 1))
    return o_t.T

# --- scband reference (transcript-rebuilt; emitter-appended) ---
"""Pipeline reference for scband-encode-categ-69148973465987 (READ-ONLY COPY).

The authoritative reference and input builder live on the scoring server;
editing this copy changes nothing except your own understanding.
"""

import jax, jax.numpy as jnp
import numpy as np

B = 16384
F = 26
V = 100000
D = 16
H1 = 512
H2 = 256
K = 100
EPS = 1e-8


def setup_inputs(seed: int = 0) -> dict:
    key = jax.random.key(seed)
    ks = jax.random.split(key, 8)
    x_data = jax.random.randint(ks[0], (B, F), 0, V)
    tables = jax.random.normal(ks[1], (F, V, D), dtype=jnp.float32)
    W1 = jax.random.normal(ks[2], (F * D, H1), dtype=jnp.float32) * (1.0 / np.sqrt(F * D))
    b1 = jnp.zeros((H1,), jnp.float32)
    W2 = jax.random.normal(ks[3], (H1, H2), dtype=jnp.float32) * (1.0 / np.sqrt(H1))
    b2 = jnp.zeros((H2,), jnp.float32)
    Wout = jax.random.normal(ks[4], (H2, K), dtype=jnp.float32) * (1.0 / np.sqrt(H2))
    bout = jnp.zeros((K,), jnp.float32)
    return {"x_data": x_data, "tables": tables, "W1": W1, "b1": b1, "W2": W2, "b2": b2, "Wout": Wout, "bout": bout}


def reference(x_data, tables, W1, b1, W2, b2, Wout, bout):
    # baseEncoder.get_inputs: per-field embedding lookup (nn.Embedding with max_norm=1),
    # drop_mask is all-ones (in_dropout=False), concat across fields.
    emb = tables[jnp.arange(F)[None, :], x_data]  # gather -> [B, F, D]
    norms = jnp.sqrt(jnp.sum(emb * emb, axis=-1, keepdims=True))
    emb = emb * jnp.minimum(1.0, 1.0 / jnp.maximum(norms, EPS))  # max_norm=1 renorm
    h = emb.reshape(x_data.shape[0], F * D)
    # mod_fw_seq: Linear + ReLU stack (no batch norm)
    h = jax.nn.relu(h @ W1 + b1)
    h = jax.nn.relu(h @ W2 + b2)
    # modSeq tail linear -> logits; CategDistModule.get_params returns {'logits': logits};
    # sampling=False, evalprob=False so samples/log_p are empty lists -> return logits.
    logits = h @ Wout + bout
    return logits

if __name__ == "__main__":
    import jax
    _d = setup_inputs()
    print(jax.jit(kernel)(*tuple(_d.values())))

</pallas_src>

<mosaic_0001>
#map = affine_map<(d0, d1) -> (0, 0)>
module attributes {stable_mosaic.version = 14 : i64} {
  func.func @gather_kernel(%arg0: i32, %arg1: i32, %arg2: memref<416x100000xf32, #tpu.memory_space<hbm>>, %arg3: memref<26x16384xi32, #tpu.memory_space<hbm>>, %arg4: memref<416x16384xf32, #tpu.memory_space<hbm>>, %arg5: memref<100000xf32, #tpu.memory_space<vmem>>, %arg6: memref<4096xi32, #tpu.memory_space<vmem>>, %arg7: memref<4096xi32, #tpu.memory_space<vmem>>, %arg8: memref<4096xf32, #tpu.memory_space<vmem>>, %arg9: memref<4096xf32, #tpu.memory_space<vmem>>, %arg10: memref<!tpu.dma_semaphore, #tpu.memory_space<semaphore_mem>>, %arg11: memref<!tpu.dma_semaphore, #tpu.memory_space<semaphore_mem>>, %arg12: memref<!tpu.dma_semaphore, #tpu.memory_space<semaphore_mem>>, %arg13: memref<!tpu.dma_semaphore, #tpu.memory_space<semaphore_mem>>, %arg14: memref<!tpu.dma_semaphore, #tpu.memory_space<semaphore_mem>>) attributes {dimension_semantics = [#tpu.dimension_semantics<core_parallel>, #tpu.dimension_semantics<subcore_parallel>], iteration_bounds = array<i64: 2, 16>, scalar_prefetch = 0 : i64, scratch_operands = 10 : i64, tpu.core_type = #tpu.core_type<sc_vector_subcore>, window_params = [{transform_indices = #map}, {transform_indices = #map}, {transform_indices = #map}]} {
    %mul3A = arith.constant 2 : i32
    %mul3A_0 = arith.muli %arg1, %mul3A : i32
    %add3A = arith.addi %mul3A_0, %arg0 : i32
    %mul3A_1 = arith.constant 13 : i32
    %mul3A_2 = arith.muli %add3A, %mul3A_1 : i32
    %scan3A = arith.constant 0 : i32
    %scan3A_3 = arith.constant 13 : i32
    %scan3A_4 = arith.addi %scan3A, %scan3A_3 : i32
    %scan3A_5 = arith.constant 1 : i32
    scf.for %scan3A_7 = %scan3A to %scan3A_4 step %scan3A_5  : i32 {
      %mul3A_8 = arith.constant 1 : i32
      %mul3A_9 = arith.muli %scan3A_7, %mul3A_8 : i32
      %add3A_10 = arith.constant 0 : i32
      %add3A_11 = arith.addi %add3A_10, %mul3A_9 : i32
      %add3A_12 = arith.addi %mul3A_2, %add3A_11 : i32
      %jit3A = arith.constant 16 : i32
      %div3A = arith.divsi %add3A_12, %jit3A : i32
      %sign3A = arith.constant 0 : i32
      %sign3A_13 = arith.cmpi sgt, %add3A_12, %sign3A : i32
      %sign3A_14 = arith.extui %sign3A_13 : i1 to i32
      %sign3A_15 = arith.constant 0 : i32
      %sign3A_16 = arith.cmpi slt, %add3A_12, %sign3A_15 : i32
      %sign3A_17 = arith.extui %sign3A_16 : i1 to i32
      %sign3A_18 = arith.subi %sign3A_14, %sign3A_17 : i32
      %sign3A_19 = arith.constant 0 : i32
      %sign3A_20 = arith.cmpi sgt, %jit3A, %sign3A_19 : i32
      %sign3A_21 = arith.extui %sign3A_20 : i1 to i32
      %sign3A_22 = arith.constant 0 : i32
      %sign3A_23 = arith.cmpi slt, %jit3A, %sign3A_22 : i32
      %sign3A_24 = arith.extui %sign3A_23 : i1 to i32
      %sign3A_25 = arith.subi %sign3A_21, %sign3A_24 : i32
      %ne3A = arith.cmpi ne, %sign3A_18, %sign3A_25 : i32
      %rem3A = arith.remsi %add3A_12, %jit3A : i32
      %ne3A_26 = arith.constant 0 : i32
      %ne3A_27 = arith.cmpi ne, %rem3A, %ne3A_26 : i32
      %and3A = arith.andi %ne3A, %ne3A_27 : i1
      %sub3A = arith.constant 1 : i32
      %sub3A_28 = arith.subi %div3A, %sub3A : i32
      %select_n3A = arith.select %and3A, %sub3A_28, %div3A : i32
      %dma_start3A = arith.constant 0 : i32
      %dma_start3A_29 = tpu.memref_slice %arg2[%add3A_12, %dma_start3A] : memref<416x100000xf32, #tpu.memory_space<hbm>> -> memref<1x100000xf32, #tpu.memory_space<hbm>>
      %dma_start3A_30 = tpu.memref_squeeze %dma_start3A_29 : memref<1x100000xf32, #tpu.memory_space<hbm>> -> memref<100000xf32, #tpu.memory_space<hbm>>
      %dma_start3A_31 = arith.constant 0 : i32
      %dma_start3A_32 = tpu.memref_slice %arg2[%add3A_12, %dma_start3A_31] : memref<416x100000xf32, #tpu.memory_space<hbm>> -> memref<1x100000xf32, #tpu.memory_space<hbm>>
      %dma_start3A_33 = tpu.memref_squeeze %dma_start3A_32 : memref<1x100000xf32, #tpu.memory_space<hbm>> -> memref<100000xf32, #tpu.memory_space<hbm>>
      tpu.enqueue_dma source(%dma_start3A_33 : memref<100000xf32, #tpu.memory_space<hbm>>) target(%arg5 : memref<100000xf32, #tpu.memory_space<vmem>>) target_semaphore(%arg10 : memref<!tpu.dma_semaphore, #tpu.memory_space<semaphore_mem>>)
      %dma_start3A_34 = arith.constant 0 : i32
      %dma_start3A_35 = tpu.memref_slice %arg3[%select_n3A, %dma_start3A_34] : memref<26x16384xi32, #tpu.memory_space<hbm>> -> memref<1x4096xi32, #tpu.memory_space<hbm>>
      %dma_start3A_36 = tpu.memref_squeeze %dma_start3A_35 : memref<1x4096xi32, #tpu.memory_space<hbm>> -> memref<4096xi32, #tpu.memory_space<hbm>>
      %dma_start3A_37 = arith.constant 0 : i32
      %dma_start3A_38 = tpu.memref_slice %arg3[%select_n3A, %dma_start3A_37] : memref<26x16384xi32, #tpu.memory_space<hbm>> -> memref<1x4096xi32, #tpu.memory_space<hbm>>
      %dma_start3A_39 = tpu.memref_squeeze %dma_start3A_38 : memref<1x4096xi32, #tpu.memory_space<hbm>> -> memref<4096xi32, #tpu.memory_space<hbm>>
      tpu.enqueue_dma source(%dma_start3A_39 : memref<4096xi32, #tpu.memory_space<hbm>>) target(%arg6 : memref<4096xi32, #tpu.memory_space<vmem>>) target_semaphore(%arg11 : memref<!tpu.dma_semaphore, #tpu.memory_space<semaphore_mem>>)
      %dma_wait3A = arith.constant 0 : i32
      %dma_wait3A_40 = tpu.memref_slice %arg2[%add3A_12, %dma_wait3A] : memref<416x100000xf32, #tpu.memory_space<hbm>> -> memref<1x100000xf32, #tpu.memory_space<hbm>>
      %dma_wait3A_41 = tpu.memref_squeeze %dma_wait3A_40 : memref<1x100000xf32, #tpu.memory_space<hbm>> -> memref<100000xf32, #tpu.memory_space<hbm>>
      %dma_wait3A_42 = arith.constant 0 : i32
      %dma_wait3A_43 = tpu.memref_slice %arg2[%add3A_12, %dma_wait3A_42] : memref<416x100000xf32, #tpu.memory_space<hbm>> -> memref<1x100000xf32, #tpu.memory_space<hbm>>
      %dma_wait3A_44 = tpu.memref_squeeze %dma_wait3A_43 : memref<1x100000xf32, #tpu.memory_space<hbm>> -> memref<100000xf32, #tpu.memory_space<hbm>>
      tpu.wait_dma2 semaphore(%arg10 : memref<!tpu.dma_semaphore, #tpu.memory_space<semaphore_mem>>) src(%dma_wait3A_44 : memref<100000xf32, #tpu.memory_space<hbm>>) dst(%arg5 : memref<100000xf32, #tpu.memory_space<vmem>>)
      %dma_wait3A_45 = arith.constant 0 : i32
      %dma_wait3A_46 = tpu.memref_slice %arg3[%select_n3A, %dma_wait3A_45] : memref<26x16384xi32, #tpu.memory_space<hbm>> -> memref<1x4096xi32, #tpu.memory_space<hbm>>
      %dma_wait3A_47 = tpu.memref_squeeze %dma_wait3A_46 : memref<1x4096xi32, #tpu.memory_space<hbm>> -> memref<4096xi32, #tpu.memory_space<hbm>>
      %dma_wait3A_48 = arith.constant 0 : i32
      %dma_wait3A_49 = tpu.memref_slice %arg3[%select_n3A, %dma_wait3A_48] : memref<26x16384xi32, #tpu.memory_space<hbm>> -> memref<1x4096xi32, #tpu.memory_space<hbm>>
      %dma_wait3A_50 = tpu.memref_squeeze %dma_wait3A_49 : memref<1x4096xi32, #tpu.memory_space<hbm>> -> memref<4096xi32, #tpu.memory_space<hbm>>
      tpu.wait_dma2 semaphore(%arg11 : memref<!tpu.dma_semaphore, #tpu.memory_space<semaphore_mem>>) src(%dma_wait3A_50 : memref<4096xi32, #tpu.memory_space<hbm>>) dst(%arg6 : memref<4096xi32, #tpu.memory_space<vmem>>)
      %dma_start3A_51 = arith.constant 4096 : i32
      %dma_start3A_52 = tpu.memref_slice %arg3[%select_n3A, %dma_start3A_51] : memref<26x16384xi32, #tpu.memory_space<hbm>> -> memref<1x4096xi32, #tpu.memory_space<hbm>>
      %dma_start3A_53 = tpu.memref_squeeze %dma_start3A_52 : memref<1x4096xi32, #tpu.memory_space<hbm>> -> memref<4096xi32, #tpu.memory_space<hbm>>
      %dma_start3A_54 = arith.constant 4096 : i32
      %dma_start3A_55 = tpu.memref_slice %arg3[%select_n3A, %dma_start3A_54] : memref<26x16384xi32, #tpu.memory_space<hbm>> -> memref<1x4096xi32, #tpu.memory_space<hbm>>
      %dma_start3A_56 = tpu.memref_squeeze %dma_start3A_55 : memref<1x4096xi32, #tpu.memory_space<hbm>> -> memref<4096xi32, #tpu.memory_space<hbm>>
      tpu.enqueue_dma source(%dma_start3A_56 : memref<4096xi32, #tpu.memory_space<hbm>>) target(%arg7 : memref<4096xi32, #tpu.memory_space<vmem>>) target_semaphore(%arg12 : memref<!tpu.dma_semaphore, #tpu.memory_space<semaphore_mem>>)
      %scan3A_57 = arith.constant 0 : i32
      %scan3A_58 = arith.constant 16 : i32
      %scan3A_59 = arith.addi %scan3A_57, %scan3A_58 : i32
      %scan3A_60 = arith.constant 1 : i32
      scf.for %scan3A_155 = %scan3A_57 to %scan3A_59 step %scan3A_60  : i32 {
        %mul3A_156 = arith.constant 1 : i32
        %mul3A_157 = arith.muli %scan3A_155, %mul3A_156 : i32
        %add3A_158 = arith.constant 0 : i32
        %add3A_159 = arith.addi %add3A_158, %mul3A_157 : i32
        %mul3A_160 = arith.constant 256 : i32
        %mul3A_161 = arith.muli %add3A_159, %mul3A_160 : i32
        %add3A_162 = arith.constant 0 : i32
        %add3A_163 = arith.addi %mul3A_161, %add3A_162 : i32
        %get3A = arith.index_cast %add3A_163 : i32 to index
        %get3A_164 = tpu.vector_load %arg6[%get3A] {strides = array<i32>} : memref<4096xi32, #tpu.memory_space<vmem>>, vector<16xi32>,
        %gather3A = tpu.vector_load_idx %arg5[%get3A_164] : memref<100000xf32, #tpu.memory_space<vmem>>[vector<16xi32>], vector<16xf32>,
        %swap3A = arith.index_cast %add3A_163 : i32 to index
        %swap3A_165 = tpu.vector_load %arg8[%swap3A] {strides = array<i32>} : memref<4096xf32, #tpu.memory_space<vmem>>, vector<16xf32>,
        tpu.vector_store %arg8[%swap3A], %gather3A {strides = array<i32>} : memref<4096xf32, #tpu.memory_space<vmem>>, vector<16xf32>,
        %mul3A_166 = arith.constant 256 : i32
        %mul3A_167 = arith.muli %add3A_159, %mul3A_166 : i32
        %add3A_168 = arith.constant 16 : i32
        %add3A_169 = arith.addi %mul3A_167, %add3A_168 : i32
        %get3A_170 = arith.index_cast %add3A_169 : i32 to index
        %get3A_171 = tpu.vector_load %arg6[%get3A_170] {strides = array<i32>} : memref<4096xi32, #tpu.memory_space<vmem>>, vector<16xi32>,
        %gather3A_172 = tpu.vector_load_idx %arg5[%get3A_171] : memref<100000xf32, #tpu.memory_space<vmem>>[vector<16xi32>], vector<16xf32>,
        %swap3A_173 = arith.index_cast %add3A_169 : i32 to index
        %swap3A_174 = tpu.vector_load %arg8[%swap3A_173] {strides = array<i32>} : memref<4096xf32, #tpu.memory_space<vmem>>, vector<16xf32>,
        tpu.vector_store %arg8[%swap3A_173], %gather3A_172 {strides = array<i32>} : memref<4096xf32, #tpu.memory_space<vmem>>, vector<16xf32>,
        %mul3A_175 = arith.constant 256 : i32
        %mul3A_176 = arith.muli %add3A_159, %mul3A_175 : i32
        %add3A_177 = arith.constant 32 : i32
        %add3A_178 = arith.addi %mul3A_176, %add3A_177 : i32
        %get3A_179 = arith.index_cast %add3A_178 : i32 to index
        %get3A_180 = tpu.vector_load %arg6[%get3A_179] {strides = array<i32>} : memref<4096xi32, #tpu.memory_space<vmem>>, vector<16xi32>,
        %gather3A_181 = tpu.vector_load_idx %arg5[%get3A_180] : memref<100000xf32, #tpu.memory_space<vmem>>[vector<16xi32>], vector<16xf32>,
        %swap3A_182 = arith.index_cast %add3A_178 : i32 to index
        %swap3A_183 = tpu.vector_load %arg8[%swap3A_182] {strides = array<i32>} : memref<4096xf32, #tpu.memory_space<vmem>>, vector<16xf32>,
        tpu.vector_store %arg8[%swap3A_182], %gather3A_181 {strides = array<i32>} : memref<4096xf32, #tpu.memory_space<vmem>>, vector<16xf32>,
        %mul3A_184 = arith.constant 256 : i32
        %mul3A_185 = arith.muli %add3A_159, %mul3A_184 : i32
        %add3A_186 = arith.constant 48 : i32
        %add3A_187 = arith.addi %mul3A_185, %add3A_186 : i32
        %get3A_188 = arith.index_cast %add3A_187 : i32 to index
        %get3A_189 = tpu.vector_load %arg6[%get3A_188] {strides = array<i32>} : memref<4096xi32, #tpu.memory_space<vmem>>, vector<16xi32>,
        %gather3A_190 = tpu.vector_load_idx %arg5[%get3A_189] : memref<100000xf32, #tpu.memory_space<vmem>>[vector<16xi32>], vector<16xf32>,
        %swap3A_191 = arith.index_cast %add3A_187 : i32 to index
        %swap3A_192 = tpu.vector_load %arg8[%swap3A_191] {strides = array<i32>} : memref<4096xf32, #tpu.memory_space<vmem>>, vector<16xf32>,
        tpu.vector_store %arg8[%swap3A_191], %gather3A_190 {strides = array<i32>} : memref<4096xf32, #tpu.memory_space<vmem>>, vector<16xf32>,
        %mul3A_193 = arith.constant 256 : i32
        %mul3A_194 = arith.muli %add3A_159, %mul3A_193 : i32
        %add3A_195 = arith.constant 64 : i32
        %add3A_196 = arith.addi %mul3A_194, %add3A_195 : i32
        %get3A_197 = arith.index_cast %add3A_196 : i32 to index
        %get3A_198 = tpu.vector_load %arg6[%get3A_197] {strides = array<i32>} : memref<4096xi32, #tpu.memory_space<vmem>>, vector<16xi32>,
        %gather3A_199 = tpu.vector_load_idx %arg5[%get3A_198] : memref<100000xf32, #tpu.memory_space<vmem>>[vector<16xi32>], vector<16xf32>,
        %swap3A_200 = arith.index_cast %add3A_196 : i32 to index
        %swap3A_201 = tpu.vector_load %arg8[%swap3A_200] {strides = array<i32>} : memref<4096xf32, #tpu.memory_space<vmem>>, vector<16xf32>,
        tpu.vector_store %arg8[%swap3A_200], %gather3A_199 {strides = array<i32>} : memref<4096xf32, #tpu.memory_space<vmem>>, vector<16xf32>,
        %mul3A_202 = arith.constant 256 : i32
        %mul3A_203 = arith.muli %add3A_159, %mul3A_202 : i32
        %add3A_204 = arith.constant 80 : i32
        %add3A_205 = arith.addi %mul3A_203, %add3A_204 : i32
        %get3A_206 = arith.index_cast %add3A_205 : i32 to index
        %get3A_207 = tpu.vector_load %arg6[%get3A_206] {strides = array<i32>} : memref<4096xi32, #tpu.memory_space<vmem>>, vector<16xi32>,
        %gather3A_208 = tpu.vector_load_idx %arg5[%get3A_207] : memref<100000xf32, #tpu.memory_space<vmem>>[vector<16xi32>], vector<16xf32>,
        %swap3A_209 = arith.index_cast %add3A_205 : i32 to index
        %swap3A_210 = tpu.vector_load %arg8[%swap3A_209] {strides = array<i32>} : memref<4096xf32, #tpu.memory_space<vmem>>, vector<16xf32>,
        tpu.vector_store %arg8[%swap3A_209], %gather3A_208 {strides = array<i32>} : memref<4096xf32, #tpu.memory_space<vmem>>, vector<16xf32>,
        %mul3A_211 = arith.constant 256 : i32
        %mul3A_212 = arith.muli %add3A_159, %mul3A_211 : i32
        %add3A_213 = arith.constant 96 : i32
        %add3A_214 = arith.addi %mul3A_212, %add3A_213 : i32
        %get3A_215 = arith.index_cast %add3A_214 : i32 to index
        %get3A_216 = tpu.vector_load %arg6[%get3A_215] {strides = array<i32>} : memref<4096xi32, #tpu.memory_space<vmem>>, vector<16xi32>,
        %gather3A_217 = tpu.vector_load_idx %arg5[%get3A_216] : memref<100000xf32, #tpu.memory_space<vmem>>[vector<16xi32>], vector<16xf32>,
        %swap3A_218 = arith.index_cast %add3A_214 : i32 to index
        %swap3A_219 = tpu.vector_load %arg8[%swap3A_218] {strides = array<i32>} : memref<4096xf32, #tpu.memory_space<vmem>>, vector<16xf32>,
        tpu.vector_store %arg8[%swap3A_218], %gather3A_217 {strides = array<i32>} : memref<4096xf32, #tpu.memory_space<vmem>>, vector<16xf32>,
        %mul3A_220 = arith.constant 256 : i32
        %mul3A_221 = arith.muli %add3A_159, %mul3A_220 : i32
        %add3A_222 = arith.constant 112 : i32
        %add3A_223 = arith.addi %mul3A_221, %add3A_222 : i32
        %get3A_224 = arith.index_cast %add3A_223 : i32 to index
        %get3A_225 = tpu.vector_load %arg6[%get3A_224] {strides = array<i32>} : memref<4096xi32, #tpu.memory_space<vmem>>, vector<16xi32>,
        %gather3A_226 = tpu.vector_load_idx %arg5[%get3A_225] : memref<100000xf32, #tpu.memory_space<vmem>>[vector<16xi32>], vector<16xf32>,
        %swap3A_227 = arith.index_cast %add3A_223 : i32 to index
        %swap3A_228 = tpu.vector_load %arg8[%swap3A_227] {strides = array<i32>} : memref<4096xf32, #tpu.memory_space<vmem>>, vector<16xf32>,
        tpu.vector_store %arg8[%swap3A_227], %gather3A_226 {strides = array<i32>} : memref<4096xf32, #tpu.memory_space<vmem>>, vector<16xf32>,
        %mul3A_229 = arith.constant 256 : i32
        %mul3A_230 = arith.muli %add3A_159, %mul3A_229 : i32
        %add3A_231 = arith.constant 128 : i32
        %add3A_232 = arith.addi %mul3A_230, %add3A_231 : i32
        %get3A_233 = arith.index_cast %add3A_232 : i32 to index
        %get3A_234 = tpu.vector_load %arg6[%get3A_233] {strides = array<i32>} : memref<4096xi32, #tpu.memory_space<vmem>>, vector<16xi32>,
        %gather3A_235 = tpu.vector_load_idx %arg5[%get3A_234] : memref<100000xf32, #tpu.memory_space<vmem>>[vector<16xi32>], vector<16xf32>,
        %swap3A_236 = arith.index_cast %add3A_232 : i32 to index
        %swap3A_237 = tpu.vector_load %arg8[%swap3A_236] {strides = array<i32>} : memref<4096xf32, #tpu.memory_space<vmem>>, vector<16xf32>,
        tpu.vector_store %arg8[%swap3A_236], %gather3A_235 {strides = array<i32>} : memref<4096xf32, #tpu.memory_space<vmem>>, vector<16xf32>,
        %mul3A_238 = arith.constant 256 : i32
        %mul3A_239 = arith.muli %add3A_159, %mul3A_238 : i32
        %add3A_240 = arith.constant 144 : i32
        %add3A_241 = arith.addi %mul3A_239, %add3A_240 : i32
        %get3A_242 = arith.index_cast %add3A_241 : i32 to index
        %get3A_243 = tpu.vector_load %arg6[%get3A_242] {strides = array<i32>} : memref<4096xi32, #tpu.memory_space<vmem>>, vector<16xi32>,
        %gather3A_244 = tpu.vector_load_idx %arg5[%get3A_243] : memref<100000xf32, #tpu.memory_space<vmem>>[vector<16xi32>], vector<16xf32>,
        %swap3A_245 = arith.index_cast %add3A_241 : i32 to index
        %swap3A_246 = tpu.vector_load %arg8[%swap3A_245] {strides = array<i32>} : memref<4096xf32, #tpu.memory_space<vmem>>, vector<16xf32>,
        tpu.vector_store %arg8[%swap3A_245], %gather3A_244 {strides = array<i32>} : memref<4096xf32, #tpu.memory_space<vmem>>, vector<16xf32>,
        %mul3A_247 = arith.constant 256 : i32
        %mul3A_248 = arith.muli %add3A_159, %mul3A_247 : i32
        %add3A_249 = arith.constant 160 : i32
        %add3A_250 = arith.addi %mul3A_248, %add3A_249 : i32
        %get3A_251 = arith.index_cast %add3A_250 : i32 to index
        %get3A_252 = tpu.vector_load %arg6[%get3A_251] {strides = array<i32>} : memref<4096xi32, #tpu.memory_space<vmem>>, vector<16xi32>,
        %gather3A_253 = tpu.vector_load_idx %arg5[%get3A_252] : memref<100000xf32, #tpu.memory_space<vmem>>[vector<16xi32>], vector<16xf32>,
        %swap3A_254 = arith.index_cast %add3A_250 : i32 to index
        %swap3A_255 = tpu.vector_load %arg8[%swap3A_254] {strides = array<i32>} : memref<4096xf32, #tpu.memory_space<vmem>>, vector<16xf32>,
        tpu.vector_store %arg8[%swap3A_254], %gather3A_253 {strides = array<i32>} : memref<4096xf32, #tpu.memory_space<vmem>>, vector<16xf32>,
        %mul3A_256 = arith.constant 256 : i32
        %mul3A_257 = arith.muli %add3A_159, %mul3A_256 : i32
        %add3A_258 = arith.constant 176 : i32
        %add3A_259 = arith.addi %mul3A_257, %add3A_258 : i32
        %get3A_260 = arith.index_cast %add3A_259 : i32 to index
        %get3A_261 = tpu.vector_load %arg6[%get3A_260] {strides = array<i32>} : memref<4096xi32, #tpu.memory_space<vmem>>, vector<16xi32>,
        %gather3A_262 = tpu.vector_load_idx %arg5[%get3A_261] : memref<100000xf32, #tpu.memory_space<vmem>>[vector<16xi32>], vector<16xf32>,
        %swap3A_263 = arith.index_cast %add3A_259 : i32 to index
        %swap3A_264 = tpu.vector_load %arg8[%swap3A_263] {strides = array<i32>} : memref<4096xf32, #tpu.memory_space<vmem>>, vector<16xf32>,
        tpu.vector_store %arg8[%swap3A_263], %gather3A_262 {strides = array<i32>} : memref<4096xf32, #tpu.memory_space<vmem>>, vector<16xf32>,
        %mul3A_265 = arith.constant 256 : i32
        %mul3A_266 = arith.muli %add3A_159, %mul3A_265 : i32
        %add3A_267 = arith.constant 192 : i32
        %add3A_268 = arith.addi %mul3A_266, %add3A_267 : i32
        %get3A_269 = arith.index_cast %add3A_268 : i32 to index
        %get3A_270 = tpu.vector_load %arg6[%get3A_269] {strides = array<i32>} : memref<4096xi32, #tpu.memory_space<vmem>>, vector<16xi32>,
        %gather3A_271 = tpu.vector_load_idx %arg5[%get3A_270] : memref<100000xf32, #tpu.memory_space<vmem>>[vector<16xi32>], vector<16xf32>,
        %swap3A_272 = arith.index_cast %add3A_268 : i32 to index
        %swap3A_273 = tpu.vector_load %arg8[%swap3A_272] {strides = array<i32>} : memref<4096xf32, #tpu.memory_space<vmem>>, vector<16xf32>,
        tpu.vector_store %arg8[%swap3A_272], %gather3A_271 {strides = array<i32>} : memref<4096xf32, #tpu.memory_space<vmem>>, vector<16xf32>,
        %mul3A_274 = arith.constant 256 : i32
        %mul3A_275 = arith.muli %add3A_159, %mul3A_274 : i32
        %add3A_276 = arith.constant 208 : i32
        %add3A_277 = arith.addi %mul3A_275, %add3A_276 : i32
        %get3A_278 = arith.index_cast %add3A_277 : i32 to index
        %get3A_279 = tpu.vector_load %arg6[%get3A_278] {strides = array<i32>} : memref<4096xi32, #tpu.memory_space<vmem>>, vector<16xi32>,
        %gather3A_280 = tpu.vector_load_idx %arg5[%get3A_279] : memref<100000xf32, #tpu.memory_space<vmem>>[vector<16xi32>], vector<16xf32>,
        %swap3A_281 = arith.index_cast %add3A_277 : i32 to index
        %swap3A_282 = tpu.vector_load %arg8[%swap3A_281] {strides = array<i32>} : memref<4096xf32, #tpu.memory_space<vmem>>, vector<16xf32>,
        tpu.vector_store %arg8[%swap3A_281], %gather3A_280 {strides = array<i32>} : memref<4096xf32, #tpu.memory_space<vmem>>, vector<16xf32>,
        %mul3A_283 = arith.constant 256 : i32
        %mul3A_284 = arith.muli %add3A_159, %mul3A_283 : i32
        %add3A_285 = arith.constant 224 : i32
        %add3A_286 = arith.addi %mul3A_284, %add3A_285 : i32
        %get3A_287 = arith.index_cast %add3A_286 : i32 to index
        %get3A_288 = tpu.vector_load %arg6[%get3A_287] {strides = array<i32>} : memref<4096xi32, #tpu.memory_space<vmem>>, vector<16xi32>,
        %gather3A_289 = tpu.vector_load_idx %arg5[%get3A_288] : memref<100000xf32, #tpu.memory_space<vmem>>[vector<16xi32>], vector<16xf32>,
        %swap3A_290 = arith.index_cast %add3A_286 : i32 to index
        %swap3A_291 = tpu.vector_load %arg8[%swap3A_290] {strides = array<i32>} : memref<4096xf32, #tpu.memory_space<vmem>>, vector<16xf32>,
        tpu.vector_store %arg8[%swap3A_290], %gather3A_289 {strides = array<i32>} : memref<4096xf32, #tpu.memory_space<vmem>>, vector<16xf32>,
        %mul3A_292 = arith.constant 256 : i32
        %mul3A_293 = arith.muli %add3A_159, %mul3A_292 : i32
        %add3A_294 = arith.constant 240 : i32
        %add3A_295 = arith.addi %mul3A_293, %add3A_294 : i32
        %get3A_296 = arith.index_cast %add3A_295 : i32 to index
        %get3A_297 = tpu.vector_load %arg6[%get3A_296] {strides = array<i32>} : memref<4096xi32, #tpu.memory_space<vmem>>, vector<16xi32>,
        %gather3A_298 = tpu.vector_load_idx %arg5[%get3A_297] : memref<100000xf32, #tpu.memory_space<vmem>>[vector<16xi32>], vector<16xf32>,
        %swap3A_299 = arith.index_cast %add3A_295 : i32 to index
        %swap3A_300 = tpu.vector_load %arg8[%swap3A_299] {strides = array<i32>} : memref<4096xf32, #tpu.memory_space<vmem>>, vector<16xf32>,
        tpu.vector_store %arg8[%swap3A_299], %gather3A_298 {strides = array<i32>} : memref<4096xf32, #tpu.memory_space<vmem>>, vector<16xf32>,
      }
      %scan3A_61 = arith.constant 16 : i32
      %dma_start3A_62 = arith.constant 0 : i32
      %dma_start3A_63 = tpu.memref_slice %arg4[%add3A_12, %dma_start3A_62] : memref<416x16384xf32, #tpu.memory_space<hbm>> -> memref<1x4096xf32, #tpu.memory_space<hbm>>
      %dma_start3A_64 = tpu.memref_squeeze %dma_start3A_63 : memref<1x4096xf32, #tpu.memory_space<hbm>> -> memref<4096xf32, #tpu.memory_space<hbm>>
      %dma_start3A_65 = arith.constant 0 : i32
      %dma_start3A_66 = tpu.memref_slice %arg4[%add3A_12, %dma_start3A_65] : memref<416x16384xf32, #tpu.memory_space<hbm>> -> memref<1x4096xf32, #tpu.memory_space<hbm>>
      %dma_start3A_67 = tpu.memref_squeeze %dma_start3A_66 : memref<1x4096xf32, #tpu.memory_space<hbm>> -> memref<4096xf32, #tpu.memory_space<hbm>>
      tpu.enqueue_dma source(%arg8 : memref<4096xf32, #tpu.memory_space<vmem>>) target(%dma_start3A_67 : memref<4096xf32, #tpu.memory_space<hbm>>) target_semaphore(%arg13 : memref<!tpu.dma_semaphore, #tpu.memory_space<semaphore_mem>>)
      %dma_wait3A_68 = arith.constant 4096 : i32
      %dma_wait3A_69 = tpu.memref_slice %arg3[%select_n3A, %dma_wait3A_68] : memref<26x16384xi32, #tpu.memory_space<hbm>> -> memref<1x4096xi32, #tpu.memory_space<hbm>>
      %dma_wait3A_70 = tpu.memref_squeeze %dma_wait3A_69 : memref<1x4096xi32, #tpu.memory_space<hbm>> -> memref<4096xi32, #tpu.memory_space<hbm>>
      %dma_wait3A_71 = arith.constant 4096 : i32
      %dma_wait3A_72 = tpu.memref_slice %arg3[%select_n3A, %dma_wait3A_71] : memref<26x16384xi32, #tpu.memory_space<hbm>> -> memref<1x4096xi32, #tpu.memory_space<hbm>>
      %dma_wait3A_73 = tpu.memref_squeeze %dma_wait3A_72 : memref<1x4096xi32, #tpu.memory_space<hbm>> -> memref<4096xi32, #tpu.memory_space<hbm>>
      tpu.wait_dma2 semaphore(%arg12 : memref<!tpu.dma_semaphore, #tpu.memory_space<semaphore_mem>>) src(%dma_wait3A_73 : memref<4096xi32, #tpu.memory_space<hbm>>) dst(%arg7 : memref<4096xi32, #tpu.memory_space<vmem>>)
      %dma_start3A_74 = arith.constant 8192 : i32
      %dma_start3A_75 = tpu.memref_slice %arg3[%select_n3A, %dma_start3A_74] : memref<26x16384xi32, #tpu.memory_space<hbm>> -> memref<1x4096xi32, #tpu.memory_space<hbm>>
      %dma_start3A_76 = tpu.memref_squeeze %dma_start3A_75 : memref<1x4096xi32, #tpu.memory_space<hbm>> -> memref<4096xi32, #tpu.memory_space<hbm>>
      %dma_start3A_77 = arith.constant 8192 : i32
      %dma_start3A_78 = tpu.memref_slice %arg3[%select_n3A, %dma_start3A_77] : memref<26x16384xi32, #tpu.memory_space<hbm>> -> memref<1x4096xi32, #tpu.memory_space<hbm>>
      %dma_start3A_79 = tpu.memref_squeeze %dma_start3A_78 : memref<1x4096xi32, #tpu.memory_space<hbm>> -> memref<4096xi32, #tpu.memory_space<hbm>>
      tpu.enqueue_dma source(%dma_start3A_79 : memref<4096xi32, #tpu.memory_space<hbm>>) target(%arg6 : memref<4096xi32, #tpu.memory_space<vmem>>) target_semaphore(%arg11 : memref<!tpu.dma_semaphore, #tpu.memory_space<semaphore_mem>>)
      %scan3A_80 = arith.constant 0 : i32
      %scan3A_81 = arith.constant 16 : i32
      %scan3A_82 = arith.addi %scan3A_80, %scan3A_81 : i32
      %scan3A_83 = arith.constant 1 : i32
      scf.for %scan3A_155 = %scan3A_80 to %scan3A_82 step %scan3A_83  : i32 {
        %mul3A_156 = arith.constant 1 : i32
        %mul3A_157 = arith.muli %scan3A_155, %mul3A_156 : i32
        %add3A_158 = arith.constant 0 : i32
        %add3A_159 = arith.addi %add3A_158, %mul3A_157 : i32
        %mul3A_160 = arith.constant 256 : i32
        %mul3A_161 = arith.muli %add3A_159, %mul3A_160 : i32
        %add3A_162 = arith.constant 0 : i32
        %add3A_163 = arith.addi %mul3A_161, %add3A_162 : i32
        %get3A = arith.index_cast %add3A_163 : i32 to index
        %get3A_164 = tpu.vector_load %arg7[%get3A] {strides = array<i32>} : memref<4096xi32, #tpu.memory_space<vmem>>, vector<16xi32>,
        %gather3A = tpu.vector_load_idx %arg5[%get3A_164] : memref<100000xf32, #tpu.memory_space<vmem>>[vector<16xi32>], vector<16xf32>,
        %swap3A = arith.index_cast %add3A_163 : i32 to index
        %swap3A_165 = tpu.vector_load %arg9[%swap3A] {strides = array<i32>} : memref<4096xf32, #tpu.memory_space<vmem>>, vector<16xf32>,
        tpu.vector_store %arg9[%swap3A], %gather3A {strides = array<i32>} : memref<4096xf32, #tpu.memory_space<vmem>>, vector<16xf32>,
        %mul3A_166 = arith.constant 256 : i32
        %mul3A_167 = arith.muli %add3A_159, %mul3A_166 : i32
        %add3A_168 = arith.constant 16 : i32
        %add3A_169 = arith.addi %mul3A_167, %add3A_168 : i32
        %get3A_170 = arith.index_cast %add3A_169 : i32 to index
        %get3A_171 = tpu.vector_load %arg7[%get3A_170] {strides = array<i32>} : memref<4096xi32, #tpu.memory_space<vmem>>, vector<16xi32>,
        %gather3A_172 = tpu.vector_load_idx %arg5[%get3A_171] : memref<100000xf32, #tpu.memory_space<vmem>>[vector<16xi32>], vector<16xf32>,
        %swap3A_173 = arith.index_cast %add3A_169 : i32 to index
        %swap3A_174 = tpu.vector_load %arg9[%swap3A_173] {strides = array<i32>} : memref<4096xf32, #tpu.memory_space<vmem>>, vector<16xf32>,
        tpu.vector_store %arg9[%swap3A_173], %gather3A_172 {strides = array<i32>} : memref<4096xf32, #tpu.memory_space<vmem>>, vector<16xf32>,
        %mul3A_175 = arith.constant 256 : i32
        %mul3A_176 = arith.muli %add3A_159, %mul3A_175 : i32
        %add3A_177 = arith.constant 32 : i32
        %add3A_178 = arith.addi %mul3A_176, %add3A_177 : i32
        %get3A_179 = arith.index_cast %add3A_178 : i32 to index
        %get3A_180 = tpu.vector_load %arg7[%get3A_179] {strides = array<i32>} : memref<4096xi32, #tpu.memory_space<vmem>>, vector<16xi32>,
        %gather3A_181 = tpu.vector_load_idx %arg5[%get3A_180] : memref<100000xf32, #tpu.memory_space<vmem>>[vector<16xi32>], vector<16xf32>,
        %swap3A_182 = arith.index_cast %add3A_178 : i32 to index
        %swap3A_183 = tpu.vector_load %arg9[%swap3A_182] {strides = array<i32>} : memref<4096xf32, #tpu.memory_space<vmem>>, vector<16xf32>,
        tpu.vector_store %arg9[%swap3A_182], %gather3A_181 {strides = array<i32>} : memref<4096xf32, #tpu.memory_space<vmem>>, vector<16xf32>,
        %mul3A_184 = arith.constant 256 : i32
        %mul3A_185 = arith.muli %add3A_159, %mul3A_184 : i32
        %add3A_186 = arith.constant 48 : i32
        %add3A_187 = arith.addi %mul3A_185, %add3A_186 : i32
        %get3A_188 = arith.index_cast %add3A_187 : i32 to index
        %get3A_189 = tpu.vector_load %arg7[%get3A_188] {strides = array<i32>} : memref<4096xi32, #tpu.memory_space<vmem>>, vector<16xi32>,
        %gather3A_190 = tpu.vector_load_idx %arg5[%get3A_189] : memref<100000xf32, #tpu.memory_space<vmem>>[vector<16xi32>], vector<16xf32>,
        %swap3A_191 = arith.index_cast %add3A_187 : i32 to index
        %swap3A_192 = tpu.vector_load %arg9[%swap3A_191] {strides = array<i32>} : memref<4096xf32, #tpu.memory_space<vmem>>, vector<16xf32>,
        tpu.vector_store %arg9[%swap3A_191], %gather3A_190 {strides = array<i32>} : memref<4096xf32, #tpu.memory_space<vmem>>, vector<16xf32>,
        %mul3A_193 = arith.constant 256 : i32
        %mul3A_194 = arith.muli %add3A_159, %mul3A_193 : i32
        %add3A_195 = arith.constant 64 : i32
        %add3A_196 = arith.addi %mul3A_194, %add3A_195 : i32
        %get3A_197 = arith.index_cast %add3A_196 : i32 to index
        %get3A_198 = tpu.vector_load %arg7[%get3A_197] {strides = array<i32>} : memref<4096xi32, #tpu.memory_space<vmem>>, vector<16xi32>,
        %gather3A_199 = tpu.vector_load_idx %arg5[%get3A_198] : memref<100000xf32, #tpu.memory_space<vmem>>[vector<16xi32>], vector<16xf32>,
        %swap3A_200 = arith.index_cast %add3A_196 : i32 to index
        %swap3A_201 = tpu.vector_load %arg9[%swap3A_200] {strides = array<i32>} : memref<4096xf32, #tpu.memory_space<vmem>>, vector<16xf32>,
        tpu.vector_store %arg9[%swap3A_200], %gather3A_199 {strides = array<i32>} : memref<4096xf32, #tpu.memory_space<vmem>>, vector<16xf32>,
        %mul3A_202 = arith.constant 256 : i32
        %mul3A_203 = arith.muli %add3A_159, %mul3A_202 : i32
        %add3A_204 = arith.constant 80 : i32
        %add3A_205 = arith.addi %mul3A_203, %add3A_204 : i32
        %get3A_206 = arith.index_cast %add3A_205 : i32 to index
        %get3A_207 = tpu.vector_load %arg7[%get3A_206] {strides = array<i32>} : memref<4096xi32, #tpu.memory_space<vmem>>, vector<16xi32>,
        %gather3A_208 = tpu.vector_load_idx %arg5[%get3A_207] : memref<100000xf32, #tpu.memory_space<vmem>>[vector<16xi32>], vector<16xf32>,
        %swap3A_209 = arith.index_cast %add3A_205 : i32 to index
        %swap3A_210 = tpu.vector_load %arg9[%swap3A_209] {strides = array<i32>} : memref<4096xf32, #tpu.memory_space<vmem>>, vector<16xf32>,
        tpu.vector_store %arg9[%swap3A_209], %gather3A_208 {strides = array<i32>} : memref<4096xf32, #tpu.memory_space<vmem>>, vector<16xf32>,
        %mul3A_211 = arith.constant 256 : i32
        %mul3A_212 = arith.muli %add3A_159, %mul3A_211 : i32
        %add3A_213 = arith.constant 96 : i32
        %add3A_214 = arith.addi %mul3A_212, %add3A_213 : i32
        %get3A_215 = arith.index_cast %add3A_214 : i32 to index
        %get3A_216 = tpu.vector_load %arg7[%get3A_215] {strides = array<i32>} : memref<4096xi32, #tpu.memory_space<vmem>>, vector<16xi32>,
        %gather3A_217 = tpu.vector_load_idx %arg5[%get3A_216] : memref<100000xf32, #tpu.memory_space<vmem>>[vector<16xi32>], vector<16xf32>,
        %swap3A_218 = arith.index_cast %add3A_214 : i32 to index
        %swap3A_219 = tpu.vector_load %arg9[%swap3A_218] {strides = array<i32>} : memref<4096xf32, #tpu.memory_space<vmem>>, vector<16xf32>,
        tpu.vector_store %arg9[%swap3A_218], %gather3A_217 {strides = array<i32>} : memref<4096xf32, #tpu.memory_space<vmem>>, vector<16xf32>,
        %mul3A_220 = arith.constant 256 : i32
        %mul3A_221 = arith.muli %add3A_159, %mul3A_220 : i32
        %add3A_222 = arith.constant 112 : i32
        %add3A_223 = arith.addi %mul3A_221, %add3A_222 : i32
        %get3A_224 = arith.index_cast %add3A_223 : i32 to index
        %get3A_225 = tpu.vector_load %arg7[%get3A_224] {strides = array<i32>} : memref<4096xi32, #tpu.memory_space<vmem>>, vector<16xi32>,
        %gather3A_226 = tpu.vector_load_idx %arg5[%get3A_225] : memref<100000xf32, #tpu.memory_space<vmem>>[vector<16xi32>], vector<16xf32>,
        %swap3A_227 = arith.index_cast %add3A_223 : i32 to index
        %swap3A_228 = tpu.vector_load %arg9[%swap3A_227] {strides = array<i32>} : memref<4096xf32, #tpu.memory_space<vmem>>, vector<16xf32>,
        tpu.vector_store %arg9[%swap3A_227], %gather3A_226 {strides = array<i32>} : memref<4096xf32, #tpu.memory_space<vmem>>, vector<16xf32>,
        %mul3A_229 = arith.constant 256 : i32
        %mul3A_230 = arith.muli %add3A_159, %mul3A_229 : i32
        %add3A_231 = arith.constant 128 : i32
        %add3A_232 = arith.addi %mul3A_230, %add3A_231 : i32
        %get3A_233 = arith.index_cast %add3A_232 : i32 to index
        %get3A_234 = tpu.vector_load %arg7[%get3A_233] {strides = array<i32>} : memref<4096xi32, #tpu.memory_space<vmem>>, vector<16xi32>,
        %gather3A_235 = tpu.vector_load_idx %arg5[%get3A_234] : memref<100000xf32, #tpu.memory_space<vmem>>[vector<16xi32>], vector<16xf32>,
        %swap3A_236 = arith.index_cast %add3A_232 : i32 to index
        %swap3A_237 = tpu.vector_load %arg9[%swap3A_236] {strides = array<i32>} : memref<4096xf32, #tpu.memory_space<vmem>>, vector<16xf32>,
        tpu.vector_store %arg9[%swap3A_236], %gather3A_235 {strides = array<i32>} : memref<4096xf32, #tpu.memory_space<vmem>>, vector<16xf32>,
        %mul3A_238 = arith.constant 256 : i32
        %mul3A_239 = arith.muli %add3A_159, %mul3A_238 : i32
        %add3A_240 = arith.constant 144 : i32
        %add3A_241 = arith.addi %mul3A_239, %add3A_240 : i32
        %get3A_242 = arith.index_cast %add3A_241 : i32 to index
        %get3A_243 = tpu.vector_load %arg7[%get3A_242] {strides = array<i32>} : memref<4096xi32, #tpu.memory_space<vmem>>, vector<16xi32>,
        %gather3A_244 = tpu.vector_load_idx %arg5[%get3A_243] : memref<100000xf32, #tpu.memory_space<vmem>>[vector<16xi32>], vector<16xf32>,
        %swap3A_245 = arith.index_cast %add3A_241 : i32 to index
        %swap3A_246 = tpu.vector_load %arg9[%swap3A_245] {strides = array<i32>} : memref<4096xf32, #tpu.memory_space<vmem>>, vector<16xf32>,
        tpu.vector_store %arg9[%swap3A_245], %gather3A_244 {strides = array<i32>} : memref<4096xf32, #tpu.memory_space<vmem>>, vector<16xf32>,
        %mul3A_247 = arith.constant 256 : i32
        %mul3A_248 = arith.muli %add3A_159, %mul3A_247 : i32
        %add3A_249 = arith.constant 160 : i32
        %add3A_250 = arith.addi %mul3A_248, %add3A_249 : i32
        %get3A_251 = arith.index_cast %add3A_250 : i32 to index
        %get3A_252 = tpu.vector_load %arg7[%get3A_251] {strides = array<i32>} : memref<4096xi32, #tpu.memory_space<vmem>>, vector<16xi32>,
        %gather3A_253 = tpu.vector_load_idx %arg5[%get3A_252] : memref<100000xf32, #tpu.memory_space<vmem>>[vector<16xi32>], vector<16xf32>,
        %swap3A_254 = arith.index_cast %add3A_250 : i32 to index
        %swap3A_255 = tpu.vector_load %arg9[%swap3A_254] {strides = array<i32>} : memref<4096xf32, #tpu.memory_space<vmem>>, vector<16xf32>,
        tpu.vector_store %arg9[%swap3A_254], %gather3A_253 {strides = array<i32>} : memref<4096xf32, #tpu.memory_space<vmem>>, vector<16xf32>,
        %mul3A_256 = arith.constant 256 : i32
        %mul3A_257 = arith.muli %add3A_159, %mul3A_256 : i32
        %add3A_258 = arith.constant 176 : i32
        %add3A_259 = arith.addi %mul3A_257, %add3A_258 : i32
        %get3A_260 = arith.index_cast %add3A_259 : i32 to index
        %get3A_261 = tpu.vector_load %arg7[%get3A_260] {strides = array<i32>} : memref<4096xi32, #tpu.memory_space<vmem>>, vector<16xi32>,
        %gather3A_262 = tpu.vector_load_idx %arg5[%get3A_261] : memref<100000xf32, #tpu.memory_space<vmem>>[vector<16xi32>], vector<16xf32>,
        %swap3A_263 = arith.index_cast %add3A_259 : i32 to index
        %swap3A_264 = tpu.vector_load %arg9[%swap3A_263] {strides = array<i32>} : memref<4096xf32, #tpu.memory_space<vmem>>, vector<16xf32>,
        tpu.vector_store %arg9[%swap3A_263], %gather3A_262 {strides = array<i32>} : memref<4096xf32, #tpu.memory_space<vmem>>, vector<16xf32>,
        %mul3A_265 = arith.constant 256 : i32
        %mul3A_266 = arith.muli %add3A_159, %mul3A_265 : i32
        %add3A_267 = arith.constant 192 : i32
        %add3A_268 = arith.addi %mul3A_266, %add3A_267 : i32
        %get3A_269 = arith.index_cast %add3A_268 : i32 to index
        %get3A_270 = tpu.vector_load %arg7[%get3A_269] {strides = array<i32>} : memref<4096xi32, #tpu.memory_space<vmem>>, vector<16xi32>,
        %gather3A_271 = tpu.vector_load_idx %arg5[%get3A_270] : memref<100000xf32, #tpu.memory_space<vmem>>[vector<16xi32>], vector<16xf32>,
        %swap3A_272 = arith.index_cast %add3A_268 : i32 to index
        %swap3A_273 = tpu.vector_load %arg9[%swap3A_272] {strides = array<i32>} : memref<4096xf32, #tpu.memory_space<vmem>>, vector<16xf32>,
        tpu.vector_store %arg9[%swap3A_272], %gather3A_271 {strides = array<i32>} : memref<4096xf32, #tpu.memory_space<vmem>>, vector<16xf32>,
        %mul3A_274 = arith.constant 256 : i32
        %mul3A_275 = arith.muli %add3A_159, %mul3A_274 : i32
        %add3A_276 = arith.constant 208 : i32
        %add3A_277 = arith.addi %mul3A_275, %add3A_276 : i32
        %get3A_278 = arith.index_cast %add3A_277 : i32 to index
        %get3A_279 = tpu.vector_load %arg7[%get3A_278] {strides = array<i32>} : memref<4096xi32, #tpu.memory_space<vmem>>, vector<16xi32>,
        %gather3A_280 = tpu.vector_load_idx %arg5[%get3A_279] : memref<100000xf32, #tpu.memory_space<vmem>>[vector<16xi32>], vector<16xf32>,
        %swap3A_281 = arith.index_cast %add3A_277 : i32 to index
        %swap3A_282 = tpu.vector_load %arg9[%swap3A_281] {strides = array<i32>} : memref<4096xf32, #tpu.memory_space<vmem>>, vector<16xf32>,
        tpu.vector_store %arg9[%swap3A_281], %gather3A_280 {strides = array<i32>} : memref<4096xf32, #tpu.memory_space<vmem>>, vector<16xf32>,
        %mul3A_283 = arith.constant 256 : i32
        %mul3A_284 = arith.muli %add3A_159, %mul3A_283 : i32
        %add3A_285 = arith.constant 224 : i32
        %add3A_286 = arith.addi %mul3A_284, %add3A_285 : i32
        %get3A_287 = arith.index_cast %add3A_286 : i32 to index
        %get3A_288 = tpu.vector_load %arg7[%get3A_287] {strides = array<i32>} : memref<4096xi32, #tpu.memory_space<vmem>>, vector<16xi32>,
        %gather3A_289 = tpu.vector_load_idx %arg5[%get3A_288] : memref<100000xf32, #tpu.memory_space<vmem>>[vector<16xi32>], vector<16xf32>,
        %swap3A_290 = arith.index_cast %add3A_286 : i32 to index
        %swap3A_291 = tpu.vector_load %arg9[%swap3A_290] {strides = array<i32>} : memref<4096xf32, #tpu.memory_space<vmem>>, vector<16xf32>,
        tpu.vector_store %arg9[%swap3A_290], %gather3A_289 {strides = array<i32>} : memref<4096xf32, #tpu.memory_space<vmem>>, vector<16xf32>,
        %mul3A_292 = arith.constant 256 : i32
        %mul3A_293 = arith.muli %add3A_159, %mul3A_292 : i32
        %add3A_294 = arith.constant 240 : i32
        %add3A_295 = arith.addi %mul3A_293, %add3A_294 : i32
        %get3A_296 = arith.index_cast %add3A_295 : i32 to index
        %get3A_297 = tpu.vector_load %arg7[%get3A_296] {strides = array<i32>} : memref<4096xi32, #tpu.memory_space<vmem>>, vector<16xi32>,
        %gather3A_298 = tpu.vector_load_idx %arg5[%get3A_297] : memref<100000xf32, #tpu.memory_space<vmem>>[vector<16xi32>], vector<16xf32>,
        %swap3A_299 = arith.index_cast %add3A_295 : i32 to index
        %swap3A_300 = tpu.vector_load %arg9[%swap3A_299] {strides = array<i32>} : memref<4096xf32, #tpu.memory_space<vmem>>, vector<16xf32>,
        tpu.vector_store %arg9[%swap3A_299], %gather3A_298 {strides = array<i32>} : memref<4096xf32, #tpu.memory_space<vmem>>, vector<16xf32>,
      }
      %scan3A_84 = arith.constant 16 : i32
      %dma_start3A_85 = arith.constant 4096 : i32
      %dma_start3A_86 = tpu.memref_slice %arg4[%add3A_12, %dma_start3A_85] : memref<416x16384xf32, #tpu.memory_space<hbm>> -> memref<1x4096xf32, #tpu.memory_space<hbm>>
      %dma_start3A_87 = tpu.memref_squeeze %dma_start3A_86 : memref<1x4096xf32, #tpu.memory_space<hbm>> -> memref<4096xf32, #tpu.memory_space<hbm>>
      %dma_start3A_88 = arith.constant 4096 : i32
      %dma_start3A_89 = tpu.memref_slice %arg4[%add3A_12, %dma_start3A_88] : memref<416x16384xf32, #tpu.memory_space<hbm>> -> memref<1x4096xf32, #tpu.memory_space<hbm>>
      %dma_start3A_90 = tpu.memref_squeeze %dma_start3A_89 : memref<1x4096xf32, #tpu.memory_space<hbm>> -> memref<4096xf32, #tpu.memory_space<hbm>>
      tpu.enqueue_dma source(%arg9 : memref<4096xf32, #tpu.memory_space<vmem>>) target(%dma_start3A_90 : memref<4096xf32, #tpu.memory_space<hbm>>) target_semaphore(%arg14 : memref<!tpu.dma_semaphore, #tpu.memory_space<semaphore_mem>>)
      %dma_wait3A_91 = arith.constant 8192 : i32
      %dma_wait3A_92 = tpu.memref_slice %arg3[%select_n3A, %dma_wait3A_91] : memref<26x16384xi32, #tpu.memory_space<hbm>> -> memref<1x4096xi32, #tpu.memory_space<hbm>>
      %dma_wait3A_93 = tpu.memref_squeeze %dma_wait3A_92 : memref<1x4096xi32, #tpu.memory_space<hbm>> -> memref<4096xi32, #tpu.memory_space<hbm>>
      %dma_wait3A_94 = arith.constant 8192 : i32
      %dma_wait3A_95 = tpu.memref_slice %arg3[%select_n3A, %dma_wait3A_94] : memref<26x16384xi32, #tpu.memory_space<hbm>> -> memref<1x4096xi32, #tpu.memory_space<hbm>>
      %dma_wait3A_96 = tpu.memref_squeeze %dma_wait3A_95 : memref<1x4096xi32, #tpu.memory_space<hbm>> -> memref<4096xi32, #tpu.memory_space<hbm>>
      tpu.wait_dma2 semaphore(%arg11 : memref<!tpu.dma_semaphore, #tpu.memory_space<semaphore_mem>>) src(%dma_wait3A_96 : memref<4096xi32, #tpu.memory_space<hbm>>) dst(%arg6 : memref<4096xi32, #tpu.memory_space<vmem>>)
      %dma_start3A_97 = arith.constant 12288 : i32
      %dma_start3A_98 = tpu.memref_slice %arg3[%select_n3A, %dma_start3A_97] : memref<26x16384xi32, #tpu.memory_space<hbm>> -> memref<1x4096xi32, #tpu.memory_space<hbm>>
      %dma_start3A_99 = tpu.memref_squeeze %dma_start3A_98 : memref<1x4096xi32, #tpu.memory_space<hbm>> -> memref<4096xi32, #tpu.memory_space<hbm>>
      %dma_start3A_100 = arith.constant 12288 : i32
      %dma_start3A_101 = tpu.memref_slice %arg3[%select_n3A, %dma_start3A_100] : memref<26x16384xi32, #tpu.memory_space<hbm>> -> memref<1x4096xi32, #tpu.memory_space<hbm>>
      %dma_start3A_102 = tpu.memref_squeeze %dma_start3A_101 : memref<1x4096xi32, #tpu.memory_space<hbm>> -> memref<4096xi32, #tpu.memory_space<hbm>>
      tpu.enqueue_dma source(%dma_start3A_102 : memref<4096xi32, #tpu.memory_space<hbm>>) target(%arg7 : memref<4096xi32, #tpu.memory_space<vmem>>) target_semaphore(%arg12 : memref<!tpu.dma_semaphore, #tpu.memory_space<semaphore_mem>>)
      %dma_wait3A_103 = arith.constant 0 : i32
      %dma_wait3A_104 = tpu.memref_slice %arg4[%add3A_12, %dma_wait3A_103] : memref<416x16384xf32, #tpu.memory_space<hbm>> -> memref<1x4096xf32, #tpu.memory_space<hbm>>
      %dma_wait3A_105 = tpu.memref_squeeze %dma_wait3A_104 : memref<1x4096xf32, #tpu.memory_space<hbm>> -> memref<4096xf32, #tpu.memory_space<hbm>>
      %dma_wait3A_106 = arith.constant 0 : i32
      %dma_wait3A_107 = tpu.memref_slice %arg4[%add3A_12, %dma_wait3A_106] : memref<416x16384xf32, #tpu.memory_space<hbm>> -> memref<1x4096xf32, #tpu.memory_space<hbm>>
      %dma_wait3A_108 = tpu.memref_squeeze %dma_wait3A_107 : memref<1x4096xf32, #tpu.memory_space<hbm>> -> memref<4096xf32, #tpu.memory_space<hbm>>
      tpu.wait_dma2 semaphore(%arg13 : memref<!tpu.dma_semaphore, #tpu.memory_space<semaphore_mem>>) src(%arg8 : memref<4096xf32, #tpu.memory_space<vmem>>) dst(%dma_wait3A_108 : memref<4096xf32, #tpu.memory_space<hbm>>)
      %scan3A_109 = arith.constant 0 : i32
      %scan3A_110 = arith.constant 16 : i32
      %scan3A_111 = arith.addi %scan3A_109, %scan3A_110 : i32
      %scan3A_112 = arith.constant 1 : i32
      scf.for %scan3A_155 = %scan3A_109 to %scan3A_111 step %scan3A_112  : i32 {
        %mul3A_156 = arith.constant 1 : i32
        %mul3A_157 = arith.muli %scan3A_155, %mul3A_156 : i32
        %add3A_158 = arith.constant 0 : i32
        %add3A_159 = arith.addi %add3A_158, %mul3A_157 : i32
        %mul3A_160 = arith.constant 256 : i32
        %mul3A_161 = arith.muli %add3A_159, %mul3A_160 : i32
        %add3A_162 = arith.constant 0 : i32
        %add3A_163 = arith.addi %mul3A_161, %add3A_162 : i32
        %get3A = arith.index_cast %add3A_163 : i32 to index
        %get3A_164 = tpu.vector_load %arg6[%get3A] {strides = array<i32>} : memref<4096xi32, #tpu.memory_space<vmem>>, vector<16xi32>,
        %gather3A = tpu.vector_load_idx %arg5[%get3A_164] : memref<100000xf32, #tpu.memory_space<vmem>>[vector<16xi32>], vector<16xf32>,
        %swap3A = arith.index_cast %add3A_163 : i32 to index
        %swap3A_165 = tpu.vector_load %arg8[%swap3A] {strides = array<i32>} : memref<4096xf32, #tpu.memory_space<vmem>>, vector<16xf32>,
        tpu.vector_store %arg8[%swap3A], %gather3A {strides = array<i32>} : memref<4096xf32, #tpu.memory_space<vmem>>, vector<16xf32>,
        %mul3A_166 = arith.constant 256 : i32
        %mul3A_167 = arith.muli %add3A_159, %mul3A_166 : i32
        %add3A_168 = arith.constant 16 : i32
        %add3A_169 = arith.addi %mul3A_167, %add3A_168 : i32
        %get3A_170 = arith.index_cast %add3A_169 : i32 to index
        %get3A_171 = tpu.vector_load %arg6[%get3A_170] {strides = array<i32>} : memref<4096xi32, #tpu.memory_space<vmem>>, vector<16xi32>,
        %gather3A_172 = tpu.vector_load_idx %arg5[%get3A_171] : memref<100000xf32, #tpu.memory_space<vmem>>[vector<16xi32>], vector<16xf32>,
        %swap3A_173 = arith.index_cast %add3A_169 : i32 to index
        %swap3A_174 = tpu.vector_load %arg8[%swap3A_173] {strides = array<i32>} : memref<4096xf32, #tpu.memory_space<vmem>>, vector<16xf32>,
        tpu.vector_store %arg8[%swap3A_173], %gather3A_172 {strides = array<i32>} : memref<4096xf32, #tpu.memory_space<vmem>>, vector<16xf32>,
        %mul3A_175 = arith.constant 256 : i32
        %mul3A_176 = arith.muli %add3A_159, %mul3A_175 : i32
        %add3A_177 = arith.constant 32 : i32
        %add3A_178 = arith.addi %mul3A_176, %add3A_177 : i32
        %get3A_179 = arith.index_cast %add3A_178 : i32 to index
        %get3A_180 = tpu.vector_load %arg6[%get3A_179] {strides = array<i32>} : memref<4096xi32, #tpu.memory_space<vmem>>, vector<16xi32>,
        %gather3A_181 = tpu.vector_load_idx %arg5[%get3A_180] : memref<100000xf32, #tpu.memory_space<vmem>>[vector<16xi32>], vector<16xf32>,
        %swap3A_182 = arith.index_cast %add3A_178 : i32 to index
        %swap3A_183 = tpu.vector_load %arg8[%swap3A_182] {strides = array<i32>} : memref<4096xf32, #tpu.memory_space<vmem>>, vector<16xf32>,
        tpu.vector_store %arg8[%swap3A_182], %gather3A_181 {strides = array<i32>} : memref<4096xf32, #tpu.memory_space<vmem>>, vector<16xf32>,
        %mul3A_184 = arith.constant 256 : i32
        %mul3A_185 = arith.muli %add3A_159, %mul3A_184 : i32
        %add3A_186 = arith.constant 48 : i32
        %add3A_187 = arith.addi %mul3A_185, %add3A_186 : i32
        %get3A_188 = arith.index_cast %add3A_187 : i32 to index
        %get3A_189 = tpu.vector_load %arg6[%get3A_188] {strides = array<i32>} : memref<4096xi32, #tpu.memory_space<vmem>>, vector<16xi32>,
        %gather3A_190 = tpu.vector_load_idx %arg5[%get3A_189] : memref<100000xf32, #tpu.memory_space<vmem>>[vector<16xi32>], vector<16xf32>,
        %swap3A_191 = arith.index_cast %add3A_187 : i32 to index
        %swap3A_192 = tpu.vector_load %arg8[%swap3A_191] {strides = array<i32>} : memref<4096xf32, #tpu.memory_space<vmem>>, vector<16xf32>,
        tpu.vector_store %arg8[%swap3A_191], %gather3A_190 {strides = array<i32>} : memref<4096xf32, #tpu.memory_space<vmem>>, vector<16xf32>,
        %mul3A_193 = arith.constant 256 : i32
        %mul3A_194 = arith.muli %add3A_159, %mul3A_193 : i32
        %add3A_195 = arith.constant 64 : i32
        %add3A_196 = arith.addi %mul3A_194, %add3A_195 : i32
        %get3A_197 = arith.index_cast %add3A_196 : i32 to index
        %get3A_198 = tpu.vector_load %arg6[%get3A_197] {strides = array<i32>} : memref<4096xi32, #tpu.memory_space<vmem>>, vector<16xi32>,
        %gather3A_199 = tpu.vector_load_idx %arg5[%get3A_198] : memref<100000xf32, #tpu.memory_space<vmem>>[vector<16xi32>], vector<16xf32>,
        %swap3A_200 = arith.index_cast %add3A_196 : i32 to index
        %swap3A_201 = tpu.vector_load %arg8[%swap3A_200] {strides = array<i32>} : memref<4096xf32, #tpu.memory_space<vmem>>, vector<16xf32>,
        tpu.vector_store %arg8[%swap3A_200], %gather3A_199 {strides = array<i32>} : memref<4096xf32, #tpu.memory_space<vmem>>, vector<16xf32>,
        %mul3A_202 = arith.constant 256 : i32
        %mul3A_203 = arith.muli %add3A_159, %mul3A_202 : i32
        %add3A_204 = arith.constant 80 : i32
        %add3A_205 = arith.addi %mul3A_203, %add3A_204 : i32
        %get3A_206 = arith.index_cast %add3A_205 : i32 to index
        %get3A_207 = tpu.vector_load %arg6[%get3A_206] {strides = array<i32>} : memref<4096xi32, #tpu.memory_space<vmem>>, vector<16xi32>,
        %gather3A_208 = tpu.vector_load_idx %arg5[%get3A_207] : memref<100000xf32, #tpu.memory_space<vmem>>[vector<16xi32>], vector<16xf32>,
        %swap3A_209 = arith.index_cast %add3A_205 : i32 to index
        %swap3A_210 = tpu.vector_load %arg8[%swap3A_209] {strides = array<i32>} : memref<4096xf32, #tpu.memory_space<vmem>>, vector<16xf32>,
        tpu.vector_store %arg8[%swap3A_209], %gather3A_208 {strides = array<i32>} : memref<4096xf32, #tpu.memory_space<vmem>>, vector<16xf32>,
        %mul3A_211 = arith.constant 256 : i32
        %mul3A_212 = arith.muli %add3A_159, %mul3A_211 : i32
        %add3A_213 = arith.constant 96 : i32
        %add3A_214 = arith.addi %mul3A_212, %add3A_213 : i32
        %get3A_215 = arith.index_cast %add3A_214 : i32 to index
        %get3A_216 = tpu.vector_load %arg6[%get3A_215] {strides = array<i32>} : memref<4096xi32, #tpu.memory_space<vmem>>, vector<16xi32>,
        %gather3A_217 = tpu.vector_load_idx %arg5[%get3A_216] : memref<100000xf32, #tpu.memory_space<vmem>>[vector<16xi32>], vector<16xf32>,
        %swap3A_218 = arith.index_cast %add3A_214 : i32 to index
        %swap3A_219 = tpu.vector_load %arg8[%swap3A_218] {strides = array<i32>} : memref<4096xf32, #tpu.memory_space<vmem>>, vector<16xf32>,
        tpu.vector_store %arg8[%swap3A_218], %gather3A_217 {strides = array<i32>} : memref<4096xf32, #tpu.memory_space<vmem>>, vector<16xf32>,
        %mul3A_220 = arith.constant 256 : i32
        %mul3A_221 = arith.muli %add3A_159, %mul3A_220 : i32
        %add3A_222 = arith.constant 112 : i32
        %add3A_223 = arith.addi %mul3A_221, %add3A_222 : i32
        %get3A_224 = arith.index_cast %add3A_223 : i32 to index
        %get3A_225 = tpu.vector_load %arg6[%get3A_224] {strides = array<i32>} : memref<4096xi32, #tpu.memory_space<vmem>>, vector<16xi32>,
        %gather3A_226 = tpu.vector_load_idx %arg5[%get3A_225] : memref<100000xf32, #tpu.memory_space<vmem>>[vector<16xi32>], vector<16xf32>,
        %swap3A_227 = arith.index_cast %add3A_223 : i32 to index
        %swap3A_228 = tpu.vector_load %arg8[%swap3A_227] {strides = array<i32>} : memref<4096xf32, #tpu.memory_space<vmem>>, vector<16xf32>,
        tpu.vector_store %arg8[%swap3A_227], %gather3A_226 {strides = array<i32>} : memref<4096xf32, #tpu.memory_space<vmem>>, vector<16xf32>,
        %mul3A_229 = arith.constant 256 : i32
        %mul3A_230 = arith.muli %add3A_159, %mul3A_229 : i32
        %add3A_231 = arith.constant 128 : i32
        %add3A_232 = arith.addi %mul3A_230, %add3A_231 : i32
        %get3A_233 = arith.index_cast %add3A_232 : i32 to index
        %get3A_234 = tpu.vector_load %arg6[%get3A_233] {strides = array<i32>} : memref<4096xi32, #tpu.memory_space<vmem>>, vector<16xi32>,
        %gather3A_235 = tpu.vector_load_idx %arg5[%get3A_234] : memref<100000xf32, #tpu.memory_space<vmem>>[vector<16xi32>], vector<16xf32>,
        %swap3A_236 = arith.index_cast %add3A_232 : i32 to index
        %swap3A_237 = tpu.vector_load %arg8[%swap3A_236] {strides = array<i32>} : memref<4096xf32, #tpu.memory_space<vmem>>, vector<16xf32>,
        tpu.vector_store %arg8[%swap3A_236], %gather3A_235 {strides = array<i32>} : memref<4096xf32, #tpu.memory_space<vmem>>, vector<16xf32>,
        %mul3A_238 = arith.constant 256 : i32
        %mul3A_239 = arith.muli %add3A_159, %mul3A_238 : i32
        %add3A_240 = arith.constant 144 : i32
        %add3A_241 = arith.addi %mul3A_239, %add3A_240 : i32
        %get3A_242 = arith.index_cast %add3A_241 : i32 to index
        %get3A_243 = tpu.vector_load %arg6[%get3A_242] {strides = array<i32>} : memref<4096xi32, #tpu.memory_space<vmem>>, vector<16xi32>,
        %gather3A_244 = tpu.vector_load_idx %arg5[%get3A_243] : memref<100000xf32, #tpu.memory_space<vmem>>[vector<16xi32>], vector<16xf32>,
        %swap3A_245 = arith.index_cast %add3A_241 : i32 to index
        %swap3A_246 = tpu.vector_load %arg8[%swap3A_245] {strides = array<i32>} : memref<4096xf32, #tpu.memory_space<vmem>>, vector<16xf32>,
        tpu.vector_store %arg8[%swap3A_245], %gather3A_244 {strides = array<i32>} : memref<4096xf32, #tpu.memory_space<vmem>>, vector<16xf32>,
        %mul3A_247 = arith.constant 256 : i32
        %mul3A_248 = arith.muli %add3A_159, %mul3A_247 : i32
        %add3A_249 = arith.constant 160 : i32
        %add3A_250 = arith.addi %mul3A_248, %add3A_249 : i32
        %get3A_251 = arith.index_cast %add3A_250 : i32 to index
        %get3A_252 = tpu.vector_load %arg6[%get3A_251] {strides = array<i32>} : memref<4096xi32, #tpu.memory_space<vmem>>, vector<16xi32>,
        %gather3A_253 = tpu.vector_load_idx %arg5[%get3A_252] : memref<100000xf32, #tpu.memory_space<vmem>>[vector<16xi32>], vector<16xf32>,
        %swap3A_254 = arith.index_cast %add3A_250 : i32 to index
        %swap3A_255 = tpu.vector_load %arg8[%swap3A_254] {strides = array<i32>} : memref<4096xf32, #tpu.memory_space<vmem>>, vector<16xf32>,
        tpu.vector_store %arg8[%swap3A_254], %gather3A_253 {strides = array<i32>} : memref<4096xf32, #tpu.memory_space<vmem>>, vector<16xf32>,
        %mul3A_256 = arith.constant 256 : i32
        %mul3A_257 = arith.muli %add3A_159, %mul3A_256 : i32
        %add3A_258 = arith.constant 176 : i32
        %add3A_259 = arith.addi %mul3A_257, %add3A_258 : i32
        %get3A_260 = arith.index_cast %add3A_259 : i32 to index
        %get3A_261 = tpu.vector_load %arg6[%get3A_260] {strides = array<i32>} : memref<4096xi32, #tpu.memory_space<vmem>>, vector<16xi32>,
        %gather3A_262 = tpu.vector_load_idx %arg5[%get3A_261] : memref<100000xf32, #tpu.memory_space<vmem>>[vector<16xi32>], vector<16xf32>,
        %swap3A_263 = arith.index_cast %add3A_259 : i32 to index
        %swap3A_264 = tpu.vector_load %arg8[%swap3A_263] {strides = array<i32>} : memref<4096xf32, #tpu.memory_space<vmem>>, vector<16xf32>,
        tpu.vector_store %arg8[%swap3A_263], %gather3A_262 {strides = array<i32>} : memref<4096xf32, #tpu.memory_space<vmem>>, vector<16xf32>,
        %mul3A_265 = arith.constant 256 : i32
        %mul3A_266 = arith.muli %add3A_159, %mul3A_265 : i32
        %add3A_267 = arith.constant 192 : i32
        %add3A_268 = arith.addi %mul3A_266, %add3A_267 : i32
        %get3A_269 = arith.index_cast %add3A_268 : i32 to index
        %get3A_270 = tpu.vector_load %arg6[%get3A_269] {strides = array<i32>} : memref<4096xi32, #tpu.memory_space<vmem>>, vector<16xi32>,
        %gather3A_271 = tpu.vector_load_idx %arg5[%get3A_270] : memref<100000xf32, #tpu.memory_space<vmem>>[vector<16xi32>], vector<16xf32>,
        %swap3A_272 = arith.index_cast %add3A_268 : i32 to index
        %swap3A_273 = tpu.vector_load %arg8[%swap3A_272] {strides = array<i32>} : memref<4096xf32, #tpu.memory_space<vmem>>, vector<16xf32>,
        tpu.vector_store %arg8[%swap3A_272], %gather3A_271 {strides = array<i32>} : memref<4096xf32, #tpu.memory_space<vmem>>, vector<16xf32>,
        %mul3A_274 = arith.constant 256 : i32
        %mul3A_275 = arith.muli %add3A_159, %mul3A_274 : i32
        %add3A_276 = arith.constant 208 : i32
        %add3A_277 = arith.addi %mul3A_275, %add3A_276 : i32
        %get3A_278 = arith.index_cast %add3A_277 : i32 to index
        %get3A_279 = tpu.vector_load %arg6[%get3A_278] {strides = array<i32>} : memref<4096xi32, #tpu.memory_space<vmem>>, vector<16xi32>,
        %gather3A_280 = tpu.vector_load_idx %arg5[%get3A_279] : memref<100000xf32, #tpu.memory_space<vmem>>[vector<16xi32>], vector<16xf32>,
        %swap3A_281 = arith.index_cast %add3A_277 : i32 to index
        %swap3A_282 = tpu.vector_load %arg8[%swap3A_281] {strides = array<i32>} : memref<4096xf32, #tpu.memory_space<vmem>>, vector<16xf32>,
        tpu.vector_store %arg8[%swap3A_281], %gather3A_280 {strides = array<i32>} : memref<4096xf32, #tpu.memory_space<vmem>>, vector<16xf32>,
        %mul3A_283 = arith.constant 256 : i32
        %mul3A_284 = arith.muli %add3A_159, %mul3A_283 : i32
        %add3A_285 = arith.constant 224 : i32
        %add3A_286 = arith.addi %mul3A_284, %add3A_285 : i32
        %get3A_287 = arith.index_cast %add3A_286 : i32 to index
        %get3A_288 = tpu.vector_load %arg6[%get3A_287] {strides = array<i32>} : memref<4096xi32, #tpu.memory_space<vmem>>, vector<16xi32>,
        %gather3A_289 = tpu.vector_load_idx %arg5[%get3A_288] : memref<100000xf32, #tpu.memory_space<vmem>>[vector<16xi32>], vector<16xf32>,
        %swap3A_290 = arith.index_cast %add3A_286 : i32 to index
        %swap3A_291 = tpu.vector_load %arg8[%swap3A_290] {strides = array<i32>} : memref<4096xf32, #tpu.memory_space<vmem>>, vector<16xf32>,
        tpu.vector_store %arg8[%swap3A_290], %gather3A_289 {strides = array<i32>} : memref<4096xf32, #tpu.memory_space<vmem>>, vector<16xf32>,
        %mul3A_292 = arith.constant 256 : i32
        %mul3A_293 = arith.muli %add3A_159, %mul3A_292 : i32
        %add3A_294 = arith.constant 240 : i32
        %add3A_295 = arith.addi %mul3A_293, %add3A_294 : i32
        %get3A_296 = arith.index_cast %add3A_295 : i32 to index
        %get3A_297 = tpu.vector_load %arg6[%get3A_296] {strides = array<i32>} : memref<4096xi32, #tpu.memory_space<vmem>>, vector<16xi32>,
        %gather3A_298 = tpu.vector_load_idx %arg5[%get3A_297] : memref<100000xf32, #tpu.memory_space<vmem>>[vector<16xi32>], vector<16xf32>,
        %swap3A_299 = arith.index_cast %add3A_295 : i32 to index
        %swap3A_300 = tpu.vector_load %arg8[%swap3A_299] {strides = array<i32>} : memref<4096xf32, #tpu.memory_space<vmem>>, vector<16xf32>,
        tpu.vector_store %arg8[%swap3A_299], %gather3A_298 {strides = array<i32>} : memref<4096xf32, #tpu.memory_space<vmem>>, vector<16xf32>,
      }
      %scan3A_113 = arith.constant 16 : i32
      %dma_start3A_114 = arith.constant 8192 : i32
      %dma_start3A_115 = tpu.memref_slice %arg4[%add3A_12, %dma_start3A_114] : memref<416x16384xf32, #tpu.memory_space<hbm>> -> memref<1x4096xf32, #tpu.memory_space<hbm>>
      %dma_start3A_116 = tpu.memref_squeeze %dma_start3A_115 : memref<1x4096xf32, #tpu.memory_space<hbm>> -> memref<4096xf32, #tpu.memory_space<hbm>>
      %dma_start3A_117 = arith.constant 8192 : i32
      %dma_start3A_118 = tpu.memref_slice %arg4[%add3A_12, %dma_start3A_117] : memref<416x16384xf32, #tpu.memory_space<hbm>> -> memref<1x4096xf32, #tpu.memory_space<hbm>>
      %dma_start3A_119 = tpu.memref_squeeze %dma_start3A_118 : memref<1x4096xf32, #tpu.memory_space<hbm>> -> memref<4096xf32, #tpu.memory_space<hbm>>
      tpu.enqueue_dma source(%arg8 : memref<4096xf32, #tpu.memory_space<vmem>>) target(%dma_start3A_119 : memref<4096xf32, #tpu.memory_space<hbm>>) target_semaphore(%arg13 : memref<!tpu.dma_semaphore, #tpu.memory_space<semaphore_mem>>)
      %dma_wait3A_120 = arith.constant 12288 : i32
      %dma_wait3A_121 = tpu.memref_slice %arg3[%select_n3A, %dma_wait3A_120] : memref<26x16384xi32, #tpu.memory_space<hbm>> -> memref<1x4096xi32, #tpu.memory_space<hbm>>
      %dma_wait3A_122 = tpu.memref_squeeze %dma_wait3A_121 : memref<1x4096xi32, #tpu.memory_space<hbm>> -> memref<4096xi32, #tpu.memory_space<hbm>>
      %dma_wait3A_123 = arith.constant 12288 : i32
      %dma_wait3A_124 = tpu.memref_slice %arg3[%select_n3A, %dma_wait3A_123] : memref<26x16384xi32, #tpu.memory_space<hbm>> -> memref<1x4096xi32, #tpu.memory_space<hbm>>
      %dma_wait3A_125 = tpu.memref_squeeze %dma_wait3A_124 : memref<1x4096xi32, #tpu.memory_space<hbm>> -> memref<4096xi32, #tpu.memory_space<hbm>>
      tpu.wait_dma2 semaphore(%arg12 : memref<!tpu.dma_semaphore, #tpu.memory_space<semaphore_mem>>) src(%dma_wait3A_125 : memref<4096xi32, #tpu.memory_space<hbm>>) dst(%arg7 : memref<4096xi32, #tpu.memory_space<vmem>>)
      %dma_wait3A_126 = arith.constant 4096 : i32
      %dma_wait3A_127 = tpu.memref_slice %arg4[%add3A_12, %dma_wait3A_126] : memref<416x16384xf32, #tpu.memory_space<hbm>> -> memref<1x4096xf32, #tpu.memory_space<hbm>>
      %dma_wait3A_128 = tpu.memref_squeeze %dma_wait3A_127 : memref<1x4096xf32, #tpu.memory_space<hbm>> -> memref<4096xf32, #tpu.memory_space<hbm>>
      %dma_wait3A_129 = arith.constant 4096 : i32
      %dma_wait3A_130 = tpu.memref_slice %arg4[%add3A_12, %dma_wait3A_129] : memref<416x16384xf32, #tpu.memory_space<hbm>> -> memref<1x4096xf32, #tpu.memory_space<hbm>>
      %dma_wait3A_131 = tpu.memref_squeeze %dma_wait3A_130 : memref<1x4096xf32, #tpu.memory_space<hbm>> -> memref<4096xf32, #tpu.memory_space<hbm>>
      tpu.wait_dma2 semaphore(%arg14 : memref<!tpu.dma_semaphore, #tpu.memory_space<semaphore_mem>>) src(%arg9 : memref<4096xf32, #tpu.memory_space<vmem>>) dst(%dma_wait3A_131 : memref<4096xf32, #tpu.memory_space<hbm>>)
      %scan3A_132 = arith.constant 0 : i32
      %scan3A_133 = arith.constant 16 : i32
      %scan3A_134 = arith.addi %scan3A_132, %scan3A_133 : i32
      %scan3A_135 = arith.constant 1 : i32
      scf.for %scan3A_155 = %scan3A_132 to %scan3A_134 step %scan3A_135  : i32 {
        %mul3A_156 = arith.constant 1 : i32
        %mul3A_157 = arith.muli %scan3A_155, %mul3A_156 : i32
        %add3A_158 = arith.constant 0 : i32
        %add3A_159 = arith.addi %add3A_158, %mul3A_157 : i32
        %mul3A_160 = arith.constant 256 : i32
        %mul3A_161 = arith.muli %add3A_159, %mul3A_160 : i32
        %add3A_162 = arith.constant 0 : i32
        %add3A_163 = arith.addi %mul3A_161, %add3A_162 : i32
        %get3A = arith.index_cast %add3A_163 : i32 to index
        %get3A_164 = tpu.vector_load %arg7[%get3A] {strides = array<i32>} : memref<4096xi32, #tpu.memory_space<vmem>>, vector<16xi32>,
        %gather3A = tpu.vector_load_idx %arg5[%get3A_164] : memref<100000xf32, #tpu.memory_space<vmem>>[vector<16xi32>], vector<16xf32>,
        %swap3A = arith.index_cast %add3A_163 : i32 to index
        %swap3A_165 = tpu.vector_load %arg9[%swap3A] {strides = array<i32>} : memref<4096xf32, #tpu.memory_space<vmem>>, vector<16xf32>,
        tpu.vector_store %arg9[%swap3A], %gather3A {strides = array<i32>} : memref<4096xf32, #tpu.memory_space<vmem>>, vector<16xf32>,
        %mul3A_166 = arith.constant 256 : i32
        %mul3A_167 = arith.muli %add3A_159, %mul3A_166 : i32
        %add3A_168 = arith.constant 16 : i32
        %add3A_169 = arith.addi %mul3A_167, %add3A_168 : i32
        %get3A_170 = arith.index_cast %add3A_169 : i32 to index
        %get3A_171 = tpu.vector_load %arg7[%get3A_170] {strides = array<i32>} : memref<4096xi32, #tpu.memory_space<vmem>>, vector<16xi32>,
        %gather3A_172 = tpu.vector_load_idx %arg5[%get3A_171] : memref<100000xf32, #tpu.memory_space<vmem>>[vector<16xi32>], vector<16xf32>,
        %swap3A_173 = arith.index_cast %add3A_169 : i32 to index
        %swap3A_174 = tpu.vector_load %arg9[%swap3A_173] {strides = array<i32>} : memref<4096xf32, #tpu.memory_space<vmem>>, vector<16xf32>,
        tpu.vector_store %arg9[%swap3A_173], %gather3A_172 {strides = array<i32>} : memref<4096xf32, #tpu.memory_space<vmem>>, vector<16xf32>,
        %mul3A_175 = arith.constant 256 : i32
        %mul3A_176 = arith.muli %add3A_159, %mul3A_175 : i32
        %add3A_177 = arith.constant 32 : i32
        %add3A_178 = arith.addi %mul3A_176, %add3A_177 : i32
        %get3A_179 = arith.index_cast %add3A_178 : i32 to index
        %get3A_180 = tpu.vector_load %arg7[%get3A_179] {strides = array<i32>} : memref<4096xi32, #tpu.memory_space<vmem>>, vector<16xi32>,
        %gather3A_181 = tpu.vector_load_idx %arg5[%get3A_180] : memref<100000xf32, #tpu.memory_space<vmem>>[vector<16xi32>], vector<16xf32>,
        %swap3A_182 = arith.index_cast %add3A_178 : i32 to index
        %swap3A_183 = tpu.vector_load %arg9[%swap3A_182] {strides = array<i32>} : memref<4096xf32, #tpu.memory_space<vmem>>, vector<16xf32>,
        tpu.vector_store %arg9[%swap3A_182], %gather3A_181 {strides = array<i32>} : memref<4096xf32, #tpu.memory_space<vmem>>, vector<16xf32>,
        %mul3A_184 = arith.constant 256 : i32
        %mul3A_185 = arith.muli %add3A_159, %mul3A_184 : i32
        %add3A_186 = arith.constant 48 : i32
        %add3A_187 = arith.addi %mul3A_185, %add3A_186 : i32
        %get3A_188 = arith.index_cast %add3A_187 : i32 to index
        %get3A_189 = tpu.vector_load %arg7[%get3A_188] {strides = array<i32>} : memref<4096xi32, #tpu.memory_space<vmem>>, vector<16xi32>,
        %gather3A_190 = tpu.vector_load_idx %arg5[%get3A_189] : memref<100000xf32, #tpu.memory_space<vmem>>[vector<16xi32>], vector<16xf32>,
        %swap3A_191 = arith.index_cast %add3A_187 : i32 to index
        %swap3A_192 = tpu.vector_load %arg9[%swap3A_191] {strides = array<i32>} : memref<4096xf32, #tpu.memory_space<vmem>>, vector<16xf32>,
        tpu.vector_store %arg9[%swap3A_191], %gather3A_190 {strides = array<i32>} : memref<4096xf32, #tpu.memory_space<vmem>>, vector<16xf32>,
        %mul3A_193 = arith.constant 256 : i32
        %mul3A_194 = arith.muli %add3A_159, %mul3A_193 : i32
        %add3A_195 = arith.constant 64 : i32
        %add3A_196 = arith.addi %mul3A_194, %add3A_195 : i32
        %get3A_197 = arith.index_cast %add3A_196 : i32 to index
        %get3A_198 = tpu.vector_load %arg7[%get3A_197] {strides = array<i32>} : memref<4096xi32, #tpu.memory_space<vmem>>, vector<16xi32>,
        %gather3A_199 = tpu.vector_load_idx %arg5[%get3A_198] : memref<100000xf32, #tpu.memory_space<vmem>>[vector<16xi32>], vector<16xf32>,
        %swap3A_200 = arith.index_cast %add3A_196 : i32 to index
        %swap3A_201 = tpu.vector_load %arg9[%swap3A_200] {strides = array<i32>} : memref<4096xf32, #tpu.memory_space<vmem>>, vector<16xf32>,
        tpu.vector_store %arg9[%swap3A_200], %gather3A_199 {strides = array<i32>} : memref<4096xf32, #tpu.memory_space<vmem>>, vector<16xf32>,
        %mul3A_202 = arith.constant 256 : i32
        %mul3A_203 = arith.muli %add3A_159, %mul3A_202 : i32
        %add3A_204 = arith.constant 80 : i32
        %add3A_205 = arith.addi %mul3A_203, %add3A_204 : i32
        %get3A_206 = arith.index_cast %add3A_205 : i32 to index
        %get3A_207 = tpu.vector_load %arg7[%get3A_206] {strides = array<i32>} : memref<4096xi32, #tpu.memory_space<vmem>>, vector<16xi32>,
        %gather3A_208 = tpu.vector_load_idx %arg5[%get3A_207] : memref<100000xf32, #tpu.memory_space<vmem>>[vector<16xi32>], vector<16xf32>,
        %swap3A_209 = arith.index_cast %add3A_205 : i32 to index
        %swap3A_210 = tpu.vector_load %arg9[%swap3A_209] {strides = array<i32>} : memref<4096xf32, #tpu.memory_space<vmem>>, vector<16xf32>,
        tpu.vector_store %arg9[%swap3A_209], %gather3A_208 {strides = array<i32>} : memref<4096xf32, #tpu.memory_space<vmem>>, vector<16xf32>,
        %mul3A_211 = arith.constant 256 : i32
        %mul3A_212 = arith.muli %add3A_159, %mul3A_211 : i32
        %add3A_213 = arith.constant 96 : i32
        %add3A_214 = arith.addi %mul3A_212, %add3A_213 : i32
        %get3A_215 = arith.index_cast %add3A_214 : i32 to index
        %get3A_216 = tpu.vector_load %arg7[%get3A_215] {strides = array<i32>} : memref<4096xi32, #tpu.memory_space<vmem>>, vector<16xi32>,
        %gather3A_217 = tpu.vector_load_idx %arg5[%get3A_216] : memref<100000xf32, #tpu.memory_space<vmem>>[vector<16xi32>], vector<16xf32>,
        %swap3A_218 = arith.index_cast %add3A_214 : i32 to index
        %swap3A_219 = tpu.vector_load %arg9[%swap3A_218] {strides = array<i32>} : memref<4096xf32, #tpu.memory_space<vmem>>, vector<16xf32>,
        tpu.vector_store %arg9[%swap3A_218], %gather3A_217 {strides = array<i32>} : memref<4096xf32, #tpu.memory_space<vmem>>, vector<16xf32>,
        %mul3A_220 = arith.constant 256 : i32
        %mul3A_221 = arith.muli %add3A_159, %mul3A_220 : i32
        %add3A_222 = arith.constant 112 : i32
        %add3A_223 = arith.addi %mul3A_221, %add3A_222 : i32
        %get3A_224 = arith.index_cast %add3A_223 : i32 to index
        %get3A_225 = tpu.vector_load %arg7[%get3A_224] {strides = array<i32>} : memref<4096xi32, #tpu.memory_space<vmem>>, vector<16xi32>,
        %gather3A_226 = tpu.vector_load_idx %arg5[%get3A_225] : memref<100000xf32, #tpu.memory_space<vmem>>[vector<16xi32>], vector<16xf32>,
        %swap3A_227 = arith.index_cast %add3A_223 : i32 to index
        %swap3A_228 = tpu.vector_load %arg9[%swap3A_227] {strides = array<i32>} : memref<4096xf32, #tpu.memory_space<vmem>>, vector<16xf32>,
        tpu.vector_store %arg9[%swap3A_227], %gather3A_226 {strides = array<i32>} : memref<4096xf32, #tpu.memory_space<vmem>>, vector<16xf32>,
        %mul3A_229 = arith.constant 256 : i32
        %mul3A_230 = arith.muli %add3A_159, %mul3A_229 : i32
        %add3A_231 = arith.constant 128 : i32
        %add3A_232 = arith.addi %mul3A_230, %add3A_231 : i32
        %get3A_233 = arith.index_cast %add3A_232 : i32 to index
        %get3A_234 = tpu.vector_load %arg7[%get3A_233] {strides = array<i32>} : memref<4096xi32, #tpu.memory_space<vmem>>, vector<16xi32>,
        %gather3A_235 = tpu.vector_load_idx %arg5[%get3A_234] : memref<100000xf32, #tpu.memory_space<vmem>>[vector<16xi32>], vector<16xf32>,
        %swap3A_236 = arith.index_cast %add3A_232 : i32 to index
        %swap3A_237 = tpu.vector_load %arg9[%swap3A_236] {strides = array<i32>} : memref<4096xf32, #tpu.memory_space<vmem>>, vector<16xf32>,
        tpu.vector_store %arg9[%swap3A_236], %gather3A_235 {strides = array<i32>} : memref<4096xf32, #tpu.memory_space<vmem>>, vector<16xf32>,
        %mul3A_238 = arith.constant 256 : i32
        %mul3A_239 = arith.muli %add3A_159, %mul3A_238 : i32
        %add3A_240 = arith.constant 144 : i32
        %add3A_241 = arith.addi %mul3A_239, %add3A_240 : i32
        %get3A_242 = arith.index_cast %add3A_241 : i32 to index
        %get3A_243 = tpu.vector_load %arg7[%get3A_242] {strides = array<i32>} : memref<4096xi32, #tpu.memory_space<vmem>>, vector<16xi32>,
        %gather3A_244 = tpu.vector_load_idx %arg5[%get3A_243] : memref<100000xf32, #tpu.memory_space<vmem>>[vector<16xi32>], vector<16xf32>,
        %swap3A_245 = arith.index_cast %add3A_241 : i32 to index
        %swap3A_246 = tpu.vector_load %arg9[%swap3A_245] {strides = array<i32>} : memref<4096xf32, #tpu.memory_space<vmem>>, vector<16xf32>,
        tpu.vector_store %arg9[%swap3A_245], %gather3A_244 {strides = array<i32>} : memref<4096xf32, #tpu.memory_space<vmem>>, vector<16xf32>,
        %mul3A_247 = arith.constant 256 : i32
        %mul3A_248 = arith.muli %add3A_159, %mul3A_247 : i32
        %add3A_249 = arith.constant 160 : i32
        %add3A_250 = arith.addi %mul3A_248, %add3A_249 : i32
        %get3A_251 = arith.index_cast %add3A_250 : i32 to index
        %get3A_252 = tpu.vector_load %arg7[%get3A_251] {strides = array<i32>} : memref<4096xi32, #tpu.memory_space<vmem>>, vector<16xi32>,
        %gather3A_253 = tpu.vector_load_idx %arg5[%get3A_252] : memref<100000xf32, #tpu.memory_space<vmem>>[vector<16xi32>], vector<16xf32>,
        %swap3A_254 = arith.index_cast %add3A_250 : i32 to index
        %swap3A_255 = tpu.vector_load %arg9[%swap3A_254] {strides = array<i32>} : memref<4096xf32, #tpu.memory_space<vmem>>, vector<16xf32>,
        tpu.vector_store %arg9[%swap3A_254], %gather3A_253 {strides = array<i32>} : memref<4096xf32, #tpu.memory_space<vmem>>, vector<16xf32>,
        %mul3A_256 = arith.constant 256 : i32
        %mul3A_257 = arith.muli %add3A_159, %mul3A_256 : i32
        %add3A_258 = arith.constant 176 : i32
        %add3A_259 = arith.addi %mul3A_257, %add3A_258 : i32
        %get3A_260 = arith.index_cast %add3A_259 : i32 to index
        %get3A_261 = tpu.vector_load %arg7[%get3A_260] {strides = array<i32>} : memref<4096xi32, #tpu.memory_space<vmem>>, vector<16xi32>,
        %gather3A_262 = tpu.vector_load_idx %arg5[%get3A_261] : memref<100000xf32, #tpu.memory_space<vmem>>[vector<16xi32>], vector<16xf32>,
        %swap3A_263 = arith.index_cast %add3A_259 : i32 to index
        %swap3A_264 = tpu.vector_load %arg9[%swap3A_263] {strides = array<i32>} : memref<4096xf32, #tpu.memory_space<vmem>>, vector<16xf32>,
        tpu.vector_store %arg9[%swap3A_263], %gather3A_262 {strides = array<i32>} : memref<4096xf32, #tpu.memory_space<vmem>>, vector<16xf32>,
        %mul3A_265 = arith.constant 256 : i32
        %mul3A_266 = arith.muli %add3A_159, %mul3A_265 : i32
        %add3A_267 = arith.constant 192 : i32
        %add3A_268 = arith.addi %mul3A_266, %add3A_267 : i32
        %get3A_269 = arith.index_cast %add3A_268 : i32 to index
        %get3A_270 = tpu.vector_load %arg7[%get3A_269] {strides = array<i32>} : memref<4096xi32, #tpu.memory_space<vmem>>, vector<16xi32>,
        %gather3A_271 = tpu.vector_load_idx %arg5[%get3A_270] : memref<100000xf32, #tpu.memory_space<vmem>>[vector<16xi32>], vector<16xf32>,
        %swap3A_272 = arith.index_cast %add3A_268 : i32 to index
        %swap3A_273 = tpu.vector_load %arg9[%swap3A_272] {strides = array<i32>} : memref<4096xf32, #tpu.memory_space<vmem>>, vector<16xf32>,
        tpu.vector_store %arg9[%swap3A_272], %gather3A_271 {strides = array<i32>} : memref<4096xf32, #tpu.memory_space<vmem>>, vector<16xf32>,
        %mul3A_274 = arith.constant 256 : i32
        %mul3A_275 = arith.muli %add3A_159, %mul3A_274 : i32
        %add3A_276 = arith.constant 208 : i32
        %add3A_277 = arith.addi %mul3A_275, %add3A_276 : i32
        %get3A_278 = arith.index_cast %add3A_277 : i32 to index
        %get3A_279 = tpu.vector_load %arg7[%get3A_278] {strides = array<i32>} : memref<4096xi32, #tpu.memory_space<vmem>>, vector<16xi32>,
        %gather3A_280 = tpu.vector_load_idx %arg5[%get3A_279] : memref<100000xf32, #tpu.memory_space<vmem>>[vector<16xi32>], vector<16xf32>,
        %swap3A_281 = arith.index_cast %add3A_277 : i32 to index
        %swap3A_282 = tpu.vector_load %arg9[%swap3A_281] {strides = array<i32>} : memref<4096xf32, #tpu.memory_space<vmem>>, vector<16xf32>,
        tpu.vector_store %arg9[%swap3A_281], %gather3A_280 {strides = array<i32>} : memref<4096xf32, #tpu.memory_space<vmem>>, vector<16xf32>,
        %mul3A_283 = arith.constant 256 : i32
        %mul3A_284 = arith.muli %add3A_159, %mul3A_283 : i32
        %add3A_285 = arith.constant 224 : i32
        %add3A_286 = arith.addi %mul3A_284, %add3A_285 : i32
        %get3A_287 = arith.index_cast %add3A_286 : i32 to index
        %get3A_288 = tpu.vector_load %arg7[%get3A_287] {strides = array<i32>} : memref<4096xi32, #tpu.memory_space<vmem>>, vector<16xi32>,
        %gather3A_289 = tpu.vector_load_idx %arg5[%get3A_288] : memref<100000xf32, #tpu.memory_space<vmem>>[vector<16xi32>], vector<16xf32>,
        %swap3A_290 = arith.index_cast %add3A_286 : i32 to index
        %swap3A_291 = tpu.vector_load %arg9[%swap3A_290] {strides = array<i32>} : memref<4096xf32, #tpu.memory_space<vmem>>, vector<16xf32>,
        tpu.vector_store %arg9[%swap3A_290], %gather3A_289 {strides = array<i32>} : memref<4096xf32, #tpu.memory_space<vmem>>, vector<16xf32>,
        %mul3A_292 = arith.constant 256 : i32
        %mul3A_293 = arith.muli %add3A_159, %mul3A_292 : i32
        %add3A_294 = arith.constant 240 : i32
        %add3A_295 = arith.addi %mul3A_293, %add3A_294 : i32
        %get3A_296 = arith.index_cast %add3A_295 : i32 to index
        %get3A_297 = tpu.vector_load %arg7[%get3A_296] {strides = array<i32>} : memref<4096xi32, #tpu.memory_space<vmem>>, vector<16xi32>,
        %gather3A_298 = tpu.vector_load_idx %arg5[%get3A_297] : memref<100000xf32, #tpu.memory_space<vmem>>[vector<16xi32>], vector<16xf32>,
        %swap3A_299 = arith.index_cast %add3A_295 : i32 to index
        %swap3A_300 = tpu.vector_load %arg9[%swap3A_299] {strides = array<i32>} : memref<4096xf32, #tpu.memory_space<vmem>>, vector<16xf32>,
        tpu.vector_store %arg9[%swap3A_299], %gather3A_298 {strides = array<i32>} : memref<4096xf32, #tpu.memory_space<vmem>>, vector<16xf32>,
      }
      %scan3A_136 = arith.constant 16 : i32
      %dma_start3A_137 = arith.constant 12288 : i32
      %dma_start3A_138 = tpu.memref_slice %arg4[%add3A_12, %dma_start3A_137] : memref<416x16384xf32, #tpu.memory_space<hbm>> -> memref<1x4096xf32, #tpu.memory_space<hbm>>
      %dma_start3A_139 = tpu.memref_squeeze %dma_start3A_138 : memref<1x4096xf32, #tpu.memory_space<hbm>> -> memref<4096xf32, #tpu.memory_space<hbm>>
      %dma_start3A_140 = arith.constant 12288 : i32
      %dma_start3A_141 = tpu.memref_slice %arg4[%add3A_12, %dma_start3A_140] : memref<416x16384xf32, #tpu.memory_space<hbm>> -> memref<1x4096xf32, #tpu.memory_space<hbm>>
      %dma_start3A_142 = tpu.memref_squeeze %dma_start3A_141 : memref<1x4096xf32, #tpu.memory_space<hbm>> -> memref<4096xf32, #tpu.memory_space<hbm>>
      tpu.enqueue_dma source(%arg9 : memref<4096xf32, #tpu.memory_space<vmem>>) target(%dma_start3A_142 : memref<4096xf32, #tpu.memory_space<hbm>>) target_semaphore(%arg14 : memref<!tpu.dma_semaphore, #tpu.memory_space<semaphore_mem>>)
      %dma_wait3A_143 = arith.constant 8192 : i32
      %dma_wait3A_144 = tpu.memref_slice %arg4[%add3A_12, %dma_wait3A_143] : memref<416x16384xf32, #tpu.memory_space<hbm>> -> memref<1x4096xf32, #tpu.memory_space<hbm>>
      %dma_wait3A_145 = tpu.memref_squeeze %dma_wait3A_144 : memref<1x4096xf32, #tpu.memory_space<hbm>> -> memref<4096xf32, #tpu.memory_space<hbm>>
      %dma_wait3A_146 = arith.constant 8192 : i32
      %dma_wait3A_147 = tpu.memref_slice %arg4[%add3A_12, %dma_wait3A_146] : memref<416x16384xf32, #tpu.memory_space<hbm>> -> memref<1x4096xf32, #tpu.memory_space<hbm>>
      %dma_wait3A_148 = tpu.memref_squeeze %dma_wait3A_147 : memref<1x4096xf32, #tpu.memory_space<hbm>> -> memref<4096xf32, #tpu.memory_space<hbm>>
      tpu.wait_dma2 semaphore(%arg13 : memref<!tpu.dma_semaphore, #tpu.memory_space<semaphore_mem>>) src(%arg8 : memref<4096xf32, #tpu.memory_space<vmem>>) dst(%dma_wait3A_148 : memref<4096xf32, #tpu.memory_space<hbm>>)
      %dma_wait3A_149 = arith.constant 12288 : i32
      %dma_wait3A_150 = tpu.memref_slice %arg4[%add3A_12, %dma_wait3A_149] : memref<416x16384xf32, #tpu.memory_space<hbm>> -> memref<1x4096xf32, #tpu.memory_space<hbm>>
      %dma_wait3A_151 = tpu.memref_squeeze %dma_wait3A_150 : memref<1x4096xf32, #tpu.memory_space<hbm>> -> memref<4096xf32, #tpu.memory_space<hbm>>
      %dma_wait3A_152 = arith.constant 12288 : i32
      %dma_wait3A_153 = tpu.memref_slice %arg4[%add3A_12, %dma_wait3A_152] : memref<416x16384xf32, #tpu.memory_space<hbm>> -> memref<1x4096xf32, #tpu.memory_space<hbm>>
      %dma_wait3A_154 = tpu.memref_squeeze %dma_wait3A_153 : memref<1x4096xf32, #tpu.memory_space<hbm>> -> memref<4096xf32, #tpu.memory_space<hbm>>
      tpu.wait_dma2 semaphore(%arg14 : memref<!tpu.dma_semaphore, #tpu.memory_space<semaphore_mem>>) src(%arg9 : memref<4096xf32, #tpu.memory_space<vmem>>) dst(%dma_wait3A_154 : memref<4096xf32, #tpu.memory_space<hbm>>)
    }
    %scan3A_6 = arith.constant 13 : i32
    return
  }
}

module attributes {stable_mosaic.version = 14 : i64} {
  func.func @_mlp_t_body(%arg0: i32, %arg1: memref<416x2048xf32, #tpu.memory_space<vmem>>, %arg2: memref<416x26xf32, #tpu.memory_space<vmem>>, %arg3: memref<416x512xbf16, #tpu.memory_space<vmem>>, %arg4: memref<512x1xf32, #tpu.memory_space<vmem>>, %arg5: memref<512x256xbf16, #tpu.memory_space<vmem>>, %arg6: memref<256x1xf32, #tpu.memory_space<vmem>>, %arg7: memref<256x100xbf16, #tpu.memory_space<vmem>>, %arg8: memref<100x1xf32, #tpu.memory_space<vmem>>, %arg9: memref<100x2048xf32, #tpu.memory_space<vmem>>) attributes {dimension_semantics = [#tpu.dimension_semantics<arbitrary>], iteration_bounds = array<i64: 8>, scalar_prefetch = 0 : i64, scratch_operands = 0 : i64, tpu.core_type = #tpu.core_type<tc>, window_params = [{transform_indices = @transform_0, window_bounds = array<i64: 416, 2048>}, {pipeline_mode = #tpu.pipeline_mode<synchronous>, transform_indices = @transform_1, window_bounds = array<i64: 416, 26>}, {pipeline_mode = #tpu.pipeline_mode<synchronous>, transform_indices = @transform_2, window_bounds = array<i64: 416, 512>}, {pipeline_mode = #tpu.pipeline_mode<synchronous>, transform_indices = @transform_3, window_bounds = array<i64: 512, 1>}, {pipeline_mode = #tpu.pipeline_mode<synchronous>, transform_indices = @transform_4, window_bounds = array<i64: 512, 256>}, {pipeline_mode = #tpu.pipeline_mode<synchronous>, transform_indices = @transform_5, window_bounds = array<i64: 256, 1>}, {pipeline_mode = #tpu.pipeline_mode<synchronous>, transform_indices = @transform_6, window_bounds = array<i64: 256, 100>}, {pipeline_mode = #tpu.pipeline_mode<synchronous>, transform_indices = @transform_7, window_bounds = array<i64: 100, 1>}, {transform_indices = @transform_8, window_bounds = array<i64: 100, 2048>}]} {
    %get3A = arith.constant 0 : index
    %get3A_0 = arith.constant 0 : index
    %get3A_1 = vector.load %arg1[%get3A, %get3A_0] : memref<416x2048xf32, #tpu.memory_space<vmem>>, vector<416x2048xf32>
    %get3A_2 = arith.constant 0 : index
    %get3A_3 = arith.constant 0 : index
    %get3A_4 = vector.load %arg2[%get3A_2, %get3A_3] : memref<416x26xf32, #tpu.memory_space<vmem>>, vector<416x26xf32>
    %mul3A = arith.mulf %get3A_1, %get3A_1 : vector<416x2048xf32>
    %dot_general3A = arith.constant dense<0.000000e+00> : vector<26x2048xf32>
    %dot_general3A_5 = tpu.matmul %get3A_4, %mul3A, %dot_general3A {dimension_numbers = #tpu.dot_dimension_numbers<[0], [0], [1], [1], [0, 1, 1, 1], [], []>, transpose_lhs_hint = false} : vector<416x26xf32>, vector<416x2048xf32>, vector<26x2048xf32> -> vector<26x2048xf32>
    %sqrt3A = math.sqrt %dot_general3A_5 : vector<26x2048xf32>
    %max3A = arith.constant 9.99999993E-9 : f32
    %max3A_6 = vector.broadcast %max3A : f32 to vector<26x2048xf32>
    %max3A_7 = arith.maximumf %sqrt3A, %max3A_6 : vector<26x2048xf32>
    %div3A = arith.constant 1.000000e+00 : f32
    %div3A_8 = vector.broadcast %div3A : f32 to vector<26x2048xf32>
    %div3A_9 = arith.divf %div3A_8, %max3A_7 : vector<26x2048xf32>
    %min3A = arith.constant 1.000000e+00 : f32
    %min3A_10 = vector.broadcast %min3A : f32 to vector<26x2048xf32>
    %min3A_11 = arith.minimumf %min3A_10, %div3A_9 : vector<26x2048xf32>
    %dot_general3A_12 = arith.constant dense<0.000000e+00> : vector<416x2048xf32>
    %dot_general3A_13 = tpu.matmul %get3A_4, %min3A_11, %dot_general3A_12 {dimension_numbers = #tpu.dot_dimension_numbers<[1], [0], [0], [1], [0, 0, 1, 1], [], []>, transpose_lhs_hint = false} : vector<416x26xf32>, vector<26x2048xf32>, vector<416x2048xf32> -> vector<416x2048xf32>
    %mul3A_14 = arith.mulf %get3A_1, %dot_general3A_13 : vector<416x2048xf32>
    %get3A_15 = arith.constant 0 : index
    %get3A_16 = arith.constant 0 : index
    %get3A_17 = vector.load %arg3[%get3A_15, %get3A_16] : memref<416x512xbf16, #tpu.memory_space<vmem>>, vector<416x512xbf16>
    %convert_element_type3A = arith.truncf %mul3A_14 : vector<416x2048xf32> to vector<416x2048xbf16>
    %dot_general3A_18 = arith.constant dense<0.000000e+00> : vector<512x2048xf32>
    %dot_general3A_19 = tpu.matmul %get3A_17, %convert_element_type3A, %dot_general3A_18 {dimension_numbers = #tpu.dot_dimension_numbers<[0], [0], [1], [1], [0, 1, 1, 1], [], []>, transpose_lhs_hint = false} : vector<416x512xbf16>, vector<416x2048xbf16>, vector<512x2048xf32> -> vector<512x2048xf32>
    %get3A_20 = arith.constant 0 : index
    %get3A_21 = arith.constant 0 : index
    %get3A_22 = vector.load %arg4[%get3A_20, %get3A_21] : memref<512x1xf32, #tpu.memory_space<vmem>>, vector<512x1xf32>
    %add3A = vector.broadcast %get3A_22 : vector<512x1xf32> to vector<512x2048xf32>
    %add3A_23 = arith.addf %dot_general3A_19, %add3A : vector<512x2048xf32>
    %max3A_24 = arith.constant 0.000000e+00 : f32
    %max3A_25 = vector.broadcast %max3A_24 : f32 to vector<512x2048xf32>
    %max3A_26 = arith.maximumf %add3A_23, %max3A_25 : vector<512x2048xf32>
    %get3A_27 = arith.constant 0 : index
    %get3A_28 = arith.constant 0 : index
    %get3A_29 = vector.load %arg5[%get3A_27, %get3A_28] : memref<512x256xbf16, #tpu.memory_space<vmem>>, vector<512x256xbf16>
    %convert_element_type3A_30 = arith.truncf %max3A_26 : vector<512x2048xf32> to vector<512x2048xbf16>
    %dot_general3A_31 = arith.constant dense<0.000000e+00> : vector<256x2048xf32>
    %dot_general3A_32 = tpu.matmul %get3A_29, %convert_element_type3A_30, %dot_general3A_31 {dimension_numbers = #tpu.dot_dimension_numbers<[0], [0], [1], [1], [0, 1, 1, 1], [], []>, transpose_lhs_hint = false} : vector<512x256xbf16>, vector<512x2048xbf16>, vector<256x2048xf32> -> vector<256x2048xf32>
    %get3A_33 = arith.constant 0 : index
    %get3A_34 = arith.constant 0 : index
    %get3A_35 = vector.load %arg6[%get3A_33, %get3A_34] : memref<256x1xf32, #tpu.memory_space<vmem>>, vector<256x1xf32>
    %add3A_36 = vector.broadcast %get3A_35 : vector<256x1xf32> to vector<256x2048xf32>
    %add3A_37 = arith.addf %dot_general3A_32, %add3A_36 : vector<256x2048xf32>
    %max3A_38 = arith.constant 0.000000e+00 : f32
    %max3A_39 = vector.broadcast %max3A_38 : f32 to vector<256x2048xf32>
    %max3A_40 = arith.maximumf %add3A_37, %max3A_39 : vector<256x2048xf32>
    %get3A_41 = arith.constant 0 : index
    %get3A_42 = arith.constant 0 : index
    %get3A_43 = vector.load %arg7[%get3A_41, %get3A_42] : memref<256x100xbf16, #tpu.memory_space<vmem>>, vector<256x100xbf16>
    %convert_element_type3A_44 = arith.truncf %max3A_40 : vector<256x2048xf32> to vector<256x2048xbf16>
    %dot_general3A_45 = arith.constant dense<0.000000e+00> : vector<100x2048xf32>
    %dot_general3A_46 = tpu.matmul %get3A_43, %convert_element_type3A_44, %dot_general3A_45 {dimension_numbers = #tpu.dot_dimension_numbers<[0], [0], [1], [1], [0, 1, 1, 1], [], []>, transpose_lhs_hint = false} : vector<256x100xbf16>, vector<256x2048xbf16>, vector<100x2048xf32> -> vector<100x2048xf32>
    %get3A_47 = arith.constant 0 : index
    %get3A_48 = arith.constant 0 : index
    %get3A_49 = vector.load %arg8[%get3A_47, %get3A_48] : memref<100x1xf32, #tpu.memory_space<vmem>>, vector<100x1xf32>
    %add3A_50 = vector.broadcast %get3A_49 : vector<100x1xf32> to vector<100x2048xf32>
    %add3A_51 = arith.addf %dot_general3A_46, %add3A_50 : vector<100x2048xf32>
    %swap3A = arith.constant 0 : index
    %swap3A_52 = arith.constant 0 : index
    %swap3A_53 = vector.load %arg9[%swap3A, %swap3A_52] : memref<100x2048xf32, #tpu.memory_space<vmem>>, vector<100x2048xf32>
    tpu.vector_store %arg9[%swap3A, %swap3A_52], %add3A_51 {strides = array<i32>} : memref<100x2048xf32, #tpu.memory_space<vmem>>, vector<100x2048xf32>,
    return
  }
  func.func @transform_0(%arg0: i32) -> (i32, i32) {
    %c0_i32 = arith.constant 0 : i32
    %c0_i32_0 = arith.constant 0 : i32
    return %c0_i32, %arg0 : i32, i32
  }
  func.func @transform_1(%arg0: i32) -> (i32, i32) {
    %c0_i32 = arith.constant 0 : i32
    %c0_i32_0 = arith.constant 0 : i32
    %c0_i32_1 = arith.constant 0 : i32
    return %c0_i32, %c0_i32_0 : i32, i32
  }
  func.func @transform_2(%arg0: i32) -> (i32, i32) {
    %c0_i32 = arith.constant 0 : i32
    %c0_i32_0 = arith.constant 0 : i32
    %c0_i32_1 = arith.constant 0 : i32
    return %c0_i32, %c0_i32_0 : i32, i32
  }
  func.func @transform_3(%arg0: i32) -> (i32, i32) {
    %c0_i32 = arith.constant 0 : i32
    %c0_i32_0 = arith.constant 0 : i32
    %c0_i32_1 = arith.constant 0 : i32
    return %c0_i32, %c0_i32_0 : i32, i32
  }
  func.func @transform_4(%arg0: i32) -> (i32, i32) {
    %c0_i32 = arith.constant 0 : i32
    %c0_i32_0 = arith.constant 0 : i32
    %c0_i32_1 = arith.constant 0 : i32
    return %c0_i32, %c0_i32_0 : i32, i32
  }
  func.func @transform_5(%arg0: i32) -> (i32, i32) {
    %c0_i32 = arith.constant 0 : i32
    %c0_i32_0 = arith.constant 0 : i32
    %c0_i32_1 = arith.constant 0 : i32
    return %c0_i32, %c0_i32_0 : i32, i32
  }
  func.func @transform_6(%arg0: i32) -> (i32, i32) {
    %c0_i32 = arith.constant 0 : i32
    %c0_i32_0 = arith.constant 0 : i32
    %c0_i32_1 = arith.constant 0 : i32
    return %c0_i32, %c0_i32_0 : i32, i32
  }
  func.func @transform_7(%arg0: i32) -> (i32, i32) {
    %c0_i32 = arith.constant 0 : i32
    %c0_i32_0 = arith.constant 0 : i32
    %c0_i32_1 = arith.constant 0 : i32
    return %c0_i32, %c0_i32_0 : i32, i32
  }
  func.func @transform_8(%arg0: i32) -> (i32, i32) {
    %c0_i32 = arith.constant 0 : i32
    %c0_i32_0 = arith.constant 0 : i32
    return %c0_i32, %arg0 : i32, i32
  }
}

</mosaic_0001>

<sc_bundles>
// kernel: kernel.4.cloned.1.call-start
scs
__scs_entry_jumppad:
0x0: {  	(pc) =	sbr.rel $0x88, $3  }
0x1: {  	(tag) =	ssettag $0x0;
	lr =	simm.s32 $0x1  }
0x2: {  	[smem:$0x3F99] =	sst lr;
	_ =	strace $0xD0000000  }
0x3: {  	_ = 	snop  }
0x4: {  	_ = 	snop  }
0x5: {  	_ = 	snop  }
0x6: {  	_ = 	snop  }
0x7: {  	_ = 	snop  }
__scs_overlays_trampoline_lowered:
0x8: {  	[smem:$0x3FA8] =	sst s0  }
0x9: {  	[smem:$0x3FA9] =	sst s1  }
0xa: {  	[smem:$0x3FAA] =	sst s2  }
0xb: {  	[smem:$0x3FAB] =	sst s3  }
0xc: {  	[smem:$0x3FAC] =	sst s4  }
0xd: {  	[smem:$0x3FAD] =	sst s5  }
0xe: {  	[smem:$0x3FAE] =	sst s6  }
0xf: {  	[smem:$0x3FAF] =	sst s7  }
0x10: {  	[smem:$0x3FB0] =	sst s8  }
0x11: {  	[smem:$0x3FB1] =	sst s9;
	s0 =	simm.s32 @!p0 $0x0  }
0x12: {  	s1 =	sld [smem:$0x3F97];
	s0 =	simm.s32 @p0 $0x1  }
0x13: {  	[smem:$0x3FB2] =	sst s0;
	s0 =	simm.s32 @!p1 $0x0  }
0x14: {  	s2 =	sld [smem:$0x3F96];
	s0 =	simm.s32 @p1 $0x1  }
0x15: {  	[smem:$0x3FB3] =	sst s0;
	s0 =	simm.s32 @!p2 $0x0  }
0x16: {  	s3 =	sld [smem:$0x3FDB];
	s0 =	simm.s32 @p2 $0x1  }
0x17: {  	s4 =	simm.s32 $0x1BF5;
	[smem:$0x3FB5] =	sst s0  }
0x18: {  	s0 =	sld [smem:$0x3F98];
	_ =	swait.ge [sflag:s4], $0x0  }
0x19: {  	s7 =	sld [smem:$0x3F99]  }
0x1a: {  	s8 =	sadd.s32 $0xFFFFE003, lr  }
0x1b: {  	s9 =	sadd.s32 $0xFFFFFEF7, lr;
	s5 =	simm.s32 $0xFFFFFFFF;
	p2 =	slt.u32 s8, $0xFFFFF086  }
0x1c: {  	p1 =	slt.u32 s9, $0xF7A;
	s5 =	simm.s32 @!p2 $0x0  }
0x1d: {  	s5 =	simm.s32 @p1 $0x1;
	p0 =	seq.s32 s7, s2  }
0x1e: {  	s7 =	smul.u32 @!p0 $0xF7A, s2;
	p2 =	seq.s32 @!p0 s5, $0x0  }
0x1f: {  	s9 =	smul.u32 $0xF7A, s1;
	s8 =	simm.s32 @!p0 $0x1BF5;
	p2 =	por !p2, p0  }
0x20: {  	[sflag:s8] =	ssyncset.s32 @!p0 $0xFFFFF086;
	s6 =	sadd.s32 @!p0 s3, s7;
	s7 =	simm.s32 @!p0 $0x108  }
0x21: {  	s3 =	sadd.s32 s3, s9;
	s6 =	sadd.s32 @!p0 $0x88, s6;
	s7 =	simm.s32 @p2 $0x1082  }
0x22: {  	[simem:s7], [sflag:s8] =	dma.local @!p0 [hbm:s6], $0xF7A  }
0x23: {  	s9 =	sor.u32 $0xD0000000, s2;
	s6 =	simm.s32 $0x108;
	_ =	swait.ge @!p0 [sflag:s8], $0x0  }
0x24: {  	s3 =	sadd.s32 $0x88, s3;
	s6 =	simm.s32 @!p1 $0x1082;
	[sflag:s4] =	ssyncset.s32 $0xFFFFF086  }
0x25: {  	[simem:s6], [sflag:s4] =	dma.local [hbm:s3], $0xF7A  }
0x26: {  	[smem:$0x3F99] =	sst s1;
	(tag) =	ssettag s2;
	_ =	strace s9  }
0x27: {  	s1 =	sld [smem:$0x3FA9]  }
0x28: {  	s2 =	sld [smem:$0x3FAA]  }
0x29: {  	s4 =	sld [smem:$0x3FAC]  }
0x2a: {  	p0 =	seq.s32 s5, $0x0;
	s5 =	sld [smem:$0x3FAD]  }
0x2b: {  	s6 =	sld [smem:$0x3FAE]  }
0x2c: {  	s7 =	sld [smem:$0x3FAF]  }
0x2d: {  	s3 =	simm.s32 $0x108;
	s8 =	sld [smem:$0x3FB0]  }
0x2e: {  	s3 =	simm.s32 @!p0 $0x1082;
	s9 =	sld [smem:$0x3FB1]  }
0x2f: {  	lr =	sadd.s32 s0, s3;
	s0 =	sld [smem:$0x3FA8]  }
0x30: {  	s3 =	sld [smem:$0x3FAB]  }
0x31: {  	[smem:$0x3FB4] =	sst s10  }
0x32: {  	s10 =	sld [smem:$0x3FB2];
	_ =	sdelay $0x3  }
0x33: {  	p0 =	seq.s32 s10, $0x1;
	s10 =	sld [smem:$0x3FB4];
	_ =	sdelay $0x3  }
0x34: {  	[smem:$0x3FB4] =	sst s10  }
0x35: {  	s10 =	sld [smem:$0x3FB3];
	_ =	sdelay $0x3  }
0x36: {  	p1 =	seq.s32 s10, $0x1;
	s10 =	sld [smem:$0x3FB4];
	_ =	sdelay $0x3  }
0x37: {  	[smem:$0x3FB4] =	sst s10  }
0x38: {  	s10 =	sld [smem:$0x3FB5]  }
0x39: {  	_ = 	snop;
	(pc) =	sbr.ind lr, $3  }
0x3a: {  	_ = 	snop  }
0x3b: {  	_ = 	snop  }
0x3c: {  	p2 =	seq.s32 s10, $0x1;
	s10 =	sld [smem:$0x3FB4]  }
0x3d: {  	_ =	shalt  }
0x3e: {  	_ =	shalt  }
0x3f: {  	_ =	shalt  }
0x40: {  	_ =	shalt  }
0x41: {  	_ =	shalt  }
0x42: {  	_ =	shalt  }
0x43: {  	_ =	shalt  }
0x44: {  	_ =	shalt  }
0x45: {  	_ =	shalt  }
0x46: {  	_ =	shalt  }
0x47: {  	_ =	shalt  }
0x48: {  	_ =	shalt  }
0x49: {  	_ =	shalt  }
0x4a: {  	_ =	shalt  }
0x4b: {  	_ =	shalt  }
0x4c: {  	_ =	shalt  }
0x4d: {  	_ =	shalt  }
0x4e: {  	_ =	shalt  }
0x4f: {  	_ =	shalt  }
0x50: {  	_ =	shalt  }
0x51: {  	_ =	shalt  }
0x52: {  	_ =	shalt  }
0x53: {  	_ =	shalt  }
0x54: {  	_ =	shalt  }
0x55: {  	_ =	shalt  }
0x56: {  	_ =	shalt  }
0x57: {  	_ =	shalt  }
0x58: {  	_ =	shalt  }
0x59: {  	_ =	shalt  }
0x5a: {  	_ =	shalt  }
0x5b: {  	_ =	shalt  }
0x5c: {  	_ =	shalt  }
0x5d: {  	_ =	shalt  }
0x5e: {  	_ =	shalt  }
0x5f: {  	_ =	shalt  }
0x60: {  	_ =	shalt  }
0x61: {  	_ =	shalt  }
0x62: {  	_ =	shalt  }
0x63: {  	_ =	shalt  }
0x64: {  	_ =	shalt  }
0x65: {  	_ =	shalt  }
0x66: {  	_ =	shalt  }
0x67: {  	_ =	shalt  }
0x68: {  	_ =	shalt  }
0x69: {  	_ =	shalt  }
0x6a: {  	_ =	shalt  }
0x6b: {  	_ =	shalt  }
0x6c: {  	_ =	shalt  }
0x6d: {  	_ =	shalt  }
0x6e: {  	_ =	shalt  }
0x6f: {  	_ =	shalt  }
0x70: {  	_ =	shalt  }
0x71: {  	_ =	shalt  }
0x72: {  	_ =	shalt  }
0x73: {  	_ =	shalt  }
0x74: {  	_ =	shalt  }
0x75: {  	_ =	shalt  }
0x76: {  	_ =	shalt  }
0x77: {  	_ =	shalt  }
0x78: {  	_ =	shalt  }
0x79: {  	_ =	shalt  }
0x7a: {  	_ =	shalt  }
0x7b: {  	_ =	shalt  }
0x7c: {  	_ =	shalt  }
0x7d: {  	_ =	shalt  }
0x7e: {  	_ =	shalt  }
0x7f: {  	_ =	shalt  }
0x80: {  	_ =	shalt  }
0x81: {  	_ =	shalt  }
0x82: {  	_ =	shalt  }
0x83: {  	_ =	shalt  }
0x84: {  	_ =	shalt  }
0x85: {  	_ =	shalt  }
0x86: {  	_ =	shalt  }
0x87: {  	_ =	shalt  }
.Lfunc_end0:
.L_simem_size_0:
called_computation_lowered:
.L_overlay_start_0:
0x88: {  	s2 =	sld [smem:$0x3FD9]  }
0x89: {  	s3 =	sld [smem:$0x3FFE];
	_ =	sdelay $0x1  }
0x8a: {  	s1 =	srdreg.scid  }
0x8b: {  	s0 =	sand.u32 $0x1, s1  }
0x8c: {  	s17 =	sshll.u32 s0, $0xA;
	s2 =	sadd.s32 s3, s2  }
0x8d: {  	s2 =	sadd.s32 s2, s17  }
0x8e: {  	[smem:$0x3FC0] =	sst s2  }
0x8f: {  	_ = 	snop  }
0x90: {  	s2 =	sld [smem:$0x3FC9]  }
0x91: {  	s18 =	sld [smem:$0x3FC8];
	(tm) =	ssettm $0x1  }
0x92: {  	s4 =	sld [smem:$0x3FFB];
	_ =	sdelay $0x3  }
0x93: {  	_ =	strace s4  }
0x94: {  	s4 =	sld [smem:$0x3FFC];
	_ =	sdelay $0x3  }
0x95: {  	_ =	strace s4  }
0x96: {  	s4 =	sld [smem:$0x3FFD];
	_ =	sdelay $0x3  }
0x97: {  	_ =	strace s4  }
0x98: {  	_ =	strace $0x8FFFFFFF  }
0x99: {  	s19 =	sld [smem:$0x3FDB];
	_ =	sdelay $0x1  }
0x9a: {  	s5 =	simm.s32 $_scs_section_size  }
0x9b: {  	s6 =	simm.s32 $_size__tile_overlayer_lowered;
	s7 =	simm.s32 $_tile_overlayer_lowered  }
0x9c: {  	s22 =	simm.s32 $0x1BFF;
	s21 =	sshll.u32 s7, $0x1;
	s4 =	sadd.s32 s5, s19  }
0x9d: {  	s8 =	simm.s32 $0x0;
	s20 =	sshll.u32 s6, $0x1;
	s6 =	sadd.s32 s21, s4  }
0x9e: {  	[timem:s8], [sflag:s22] =	dma.local [hbm:s6], s20  }
0x9f: {  	_ =	swait.ge [sflag:s22], s20  }
0xa0: {  	s5 =	ssub.s32 $0x0, s20;
	[sflag:s22] =	ssyncset.done $0x0  }
0xa1: {  	[sflag:s22] =	ssyncadd.s32 s5;
	_ =	sdelay $0x1  }
0xa2: {  	s23 =	simm.s32 $0x1B8B  }
0xa3: {  	_ =	swait.ge [sflag:s23], $0x1  }
0xa4: {  	[sflag:s23] =	ssyncset.done $0x0  }
0xa5: {  	s25 =	simm.s32 $0x1B8E;
	s24 =	sld [smem:$0x3FFE];
	[sflag:s23] =	ssyncadd.s32 $0xFFFFFFFF  }
0xa6: {  	s26 =	simm.s32 $execute0_lowered;
	[smem:$0x3FD2] =	sst s25  }
0xa7: {  	s6 =	sshll.u32 s26, $0x1;
	_ =	strace $0x80000046;
	[dreg:$0x1] =	wrdreg $0xFFFFFFFF  }
0xa8: {  	s28 =	simm.s32 $_size_execute0_lowered;
	s4 =	sadd.s32 s4, s6;
	[dreg:$0x0] =	wrdreg $0x0  }
0xa9: {  	s6 =	sshll.u32 s28, $0x1;
	[dreg:$0x2] =	wrdreg s4  }
0xaa: {  	[dreg:$0x3] =	wrdreg s6  }
0xab: {  	[dreg:$0x4] =	wrdreg $0xC0  }
0xac: {  	_ =	task [dreg:s8], $0x5FFFF  }
0xad: {  	[dreg:$0x1] =	wrdreg $0xFFFFFFFF  }
0xae: {  	[dreg:$0x0] =	wrdreg $0x60  }
0xaf: {  	[dreg:$0x2] =	wrdreg s18  }
0xb0: {  	[dreg:$0x3] =	wrdreg s2  }
0xb1: {  	[dreg:$0x4] =	wrdreg s24  }
0xb2: {  	[dreg:$0x5] =	wrdreg $0x9  }
0xb3: {  	_ =	task.clear_ibuf [dreg:s8], $0x6FFFF;
	_ =	strace $0x90000046  }
0xb4: {  	s29 =	simm.s32 $0x9;
	_ =	strace $0x80000048  }
0xb5: {  	_ =	swait.ge [sflag:s29], $0x1  }
0xb6: {  	[sflag:s29] =	ssyncadd.s32 $0xFFFFFFFF  }
0xb7: {  	_ =	strace $0x90000048  }
0xb8: {  	_ =	sfence  }
0xb9: {  	s30 =	sld [smem:$0x0];
	_ =	sdelay $0x2  }
0xba: {  	s31 =	sshll.u32 s1, $0xD;
	s1 =	sshrl.u32 s1, $0x2  }
0xbb: {  	s3 =	sand.u32 $0x4000, s31;
	s1 =	sadd.s32 s1, s30  }
0xbc: {  	s0 =	sor.u32 s3, s0;
	s1 =	sshll.u32 s1, $0x11  }
0xbd: {  	s0 =	sor.u32 s1, s0  }
0xbe: {  	s0 =	sadd.s32 $0x8F2B, s0  }
0xbf: {  	[sflag:s0] =	ssyncadd.remote.s32 $0x1  }
0xc0: {  	_ =	sfence.sel $0xFFFF  }
0xc1: {  	[dreg:$0x0] =	wrdreg $0xFFFFFFFF;
	(pc) =	sbr.abs _section_cstart, $3  }
0xc2: {  	[dreg:$0x1] =	wrdreg $0xFFFFFFFF  }
0xc3: {  	_ =	task.clear_ibuf [dreg:s8], $0x2FFFF;
	_ =	strace $0x9FFFFFFF  }
0xc4: {  	(tm) =	ssettm $0x7FFFFFFF  }
0xc5: {  	_ =	shalt  }
tec
execute0_lowered:
.L_overlay_start_1:
0x0: {  	(tag) =	ssettag $0x1  }
0x1: {  	s1 =	rddreg [dreg:$0x0]  }
0x2: {  	s2 =	rddreg [dreg:$0x1]  }
0x3: {  	s0 =	rddreg [dreg:$0x2];
	s4 =	simm.s32 $0x0;
	s3 =	srdreg.scid  }
0x4: {  	s5 =	stileid.u32;
	s14 =	simm.s32 $0x80;
	s15 =	simm.s32 $0x400  }
0x5: {  	s16 =	simm.s32 $0x18700;
	s17 =	simm.s32 $0x1;
	s18 =	simm.s32 $0x2  }
0x6: {  	s19 =	simm.s32 $0x19700;
	s20 =	simm.s32 $0x1A700;
	s21 =	simm.s32 $0x3  }
0x7: {  	s22 =	simm.s32 $0x1B700;
	s23 =	simm.s32 $0x4;
	s24 =	simm.s32 $0x5  }
0x8: {  	s25 =	simm.s32 $0x0;
	[smem:$0x7FF] =	sst s4;
	s3 =	sand.u32 $0x1, s3  }
0x9: {  	s7 =	sshll.u32 s5, $0x1;
	s5 =	sadd.s32 $0x1000, s0;
	s9 =	sadd.s32 $0x2000, s0  }
0xa: {  	s10 =	sadd.s32 $0x3000, s2;
	s11 =	sadd.s32 $0x3000, s0;
	s6 =	ssub.s32 $0x2, s3  }
0xb: {  	s12 =	sadd.s32 $0x4000, s0;
	_ =	strace $0x80000047;
	s8 =	sshrl.u32 s6, $0x1  }
0xc: {  	s3 =	sor.u32 s3, s7;
	s7 =	sadd.s32 $0x1000, s2;
	s13 =	ssub.s32 s6, s8  }
0xd: {  	s6 =	smul.u32 $0xD, s3;
	s8 =	sadd.s32 $0x2000, s2;
	s13 =	smax.u32 s13, $0x1  }
.LBB2_1:
0xe: {  	s26 =	simm.s32 $0x0  }
.LBB2_2:
0xf: {  	s0 =	sadd.s32 s6, s26  }
0x10: {  	s28 =	sshrl.u32 s0, $0x3  }
0x11: {  	s3 =	sshll.u32 s0, $0x7;
	s29 =	smul.u32 $0xC3800, s28  }
0x12: {  	s30 =	sand.u32 $0x380, s3  }
0x13: {  	s29 =	sor.u32 s30, s29  }
0x14: {  	s31 =	simm.s32 $0x0;
	s29 =	sshrl.u32 s29, $0x3  }
0x15: {  	s0 =	sand.u32 $0x70, s0;
	s3 =	sand.u32 $0xFFFC000, s3;
	s29 =	sadd.s32 s1, s29  }
0x16: {  	[tilespmem:s31], [sflag:$0x1] =	stream.strided.gather [hbm4b:s29+s14], $0x18700, s15, s14, $0x38;
	[tilespmem:$0x1C700] =	vst v63  }
0x17: {  	s29 =	sor.u32 s0, s3  }
0x18: {  	s0 =	sadd.s32 s2, s29  }
0x19: {  	[tilespmem:s16], [sflag:$0x2] =	stream.strided.gather [hbm4b:s0+s14], $0x1000, s15, s14, $0x38;
	[tilespmem:$0x1C700] =	vst v63  }
0x1a: {  	_ =	swait.ge [sflag:s17], $0x18700  }
0x1b: {  	[sflag:s17] =	ssyncset.done $0x0  }
0x1c: {  	[sflag:s17] =	ssyncadd.s32 $0xFFFE7900  }
0x1d: {  	_ =	swait.ge [sflag:s18], $0x1000  }
0x1e: {  	[sflag:s18] =	ssyncset.done $0x0  }
0x1f: {  	s31 =	simm.s32 $0x0;
	s3 =	sadd.s32 s29, s7;
	[sflag:s18] =	ssyncadd.s32 $0xFFFFF000  }
0x20: {  	[tilespmem:s19], [sflag:$0x3] =	stream.strided.gather [hbm4b:s3+s14], $0x1000, s15, s14, $0x38;
	[tilespmem:$0x1C700] =	vst v63  }
0x21: {  	v0 =	vld [tilespmem:s31+$0x18700];
	_ =	sdelay $0x5  }
0x22: {  	v1 =	vld [tilespmem:s31+$0x18710];
	_ =	sdelay $0x1  }
0x23: {  	v0 =	vld.idx.msk [tilespmem:v0+s4+$0x0], $0xffff;
	_ =	sdelay $0x4  }
0x24: {  	[tilespmem:s31+$0x1A700] =	vst v0;
	v0 =	vld [tilespmem:s31+$0x18720]  }
0x25: {  	v1 =	vld.idx.msk [tilespmem:v1+s4+$0x0], $0xffff;
	_ =	sdelay $0x4  }
0x26: {  	[tilespmem:s31+$0x1A710] =	vst v1;
	v1 =	vld [tilespmem:s31+$0x18730];
	_ =	sdelay $0x1  }
0x27: {  	v0 =	vld.idx.msk [tilespmem:v0+s4+$0x0], $0xffff;
	_ =	sdelay $0x4  }
0x28: {  	[tilespmem:s31+$0x1A720] =	vst v0;
	v0 =	vld [tilespmem:s31+$0x18740]  }
0x29: {  	v1 =	vld.idx.msk [tilespmem:v1+s4+$0x0], $0xffff;
	_ =	sdelay $0x4  }
0x2a: {  	[tilespmem:s31+$0x1A730] =	vst v1;
	v1 =	vld [tilespmem:s31+$0x18750];
	_ =	sdelay $0x1  }
0x2b: {  	v0 =	vld.idx.msk [tilespmem:v0+s4+$0x0], $0xffff;
	_ =	sdelay $0x4  }
0x2c: {  	[tilespmem:s31+$0x1A740] =	vst v0;
	v0 =	vld [tilespmem:s31+$0x18760]  }
0x2d: {  	v1 =	vld.idx.msk [tilespmem:v1+s4+$0x0], $0xffff;
	_ =	sdelay $0x4  }
0x2e: {  	[tilespmem:s31+$0x1A750] =	vst v1;
	v1 =	vld [tilespmem:s31+$0x18770];
	_ =	sdelay $0x1  }
0x2f: {  	v0 =	vld.idx.msk [tilespmem:v0+s4+$0x0], $0xffff;
	_ =	sdelay $0x4  }
0x30: {  	[tilespmem:s31+$0x1A760] =	vst v0;
	v0 =	vld [tilespmem:s31+$0x18780]  }
0x31: {  	v1 =	vld.idx.msk [tilespmem:v1+s4+$0x0], $0xffff;
	_ =	sdelay $0x4  }
0x32: {  	[tilespmem:s31+$0x1A770] =	vst v1;
	v1 =	vld [tilespmem:s31+$0x18790];
	_ =	sdelay $0x1  }
0x33: {  	v0 =	vld.idx.msk [tilespmem:v0+s4+$0x0], $0xffff;
	_ =	sdelay $0x4  }
0x34: {  	[tilespmem:s31+$0x1A780] =	vst v0;
	v0 =	vld [tilespmem:s31+$0x187A0]  }
0x35: {  	v1 =	vld.idx.msk [tilespmem:v1+s4+$0x0], $0xffff;
	_ =	sdelay $0x4  }
0x36: {  	[tilespmem:s31+$0x1A790] =	vst v1;
	v1 =	vld [tilespmem:s31+$0x187B0];
	_ =	sdelay $0x1  }
0x37: {  	v0 =	vld.idx.msk [tilespmem:v0+s4+$0x0], $0xffff;
	_ =	sdelay $0x4  }
0x38: {  	[tilespmem:s31+$0x1A7A0] =	vst v0;
	v0 =	vld [tilespmem:s31+$0x187C0]  }
0x39: {  	v1 =	vld.idx.msk [tilespmem:v1+s4+$0x0], $0xffff;
	_ =	sdelay $0x4  }
0x3a: {  	[tilespmem:s31+$0x1A7B0] =	vst v1;
	v1 =	vld [tilespmem:s31+$0x187D0];
	_ =	sdelay $0x1  }
0x3b: {  	v0 =	vld.idx.msk [tilespmem:v0+s4+$0x0], $0xffff;
	_ =	sdelay $0x4  }
0x3c: {  	v2 =	vld [tilespmem:s31+$0x187E0];
	[tilespmem:s31+$0x1A7C0] =	vst v0  }
0x3d: {  	v0 =	vld.idx.msk [tilespmem:v1+s4+$0x0], $0xffff;
	_ =	sdelay $0x4  }
0x3e: {  	[tilespmem:s31+$0x1A7D0] =	vst v0;
	v0 =	vld [tilespmem:s31+$0x187F0];
	_ =	sdelay $0x1  }
0x3f: {  	v1 =	vld.idx.msk [tilespmem:v2+s4+$0x0], $0xffff;
	_ =	sdelay $0x3  }
0x40: {  	s0 =	simm.s32 $0x800;
	s3 =	simm.s32 $0x100  }
.LBB2_3:
0x41: {  	p0 =	sne.s32 s0, $0x3C00;
	v2 =	vld [tilespmem:s3+$0x18700];
	[tilespmem:s31+$0x1A7E0] =	vst v1  }
0x42: {  	v0 =	vld.idx.msk [tilespmem:v0+s4+$0x0], $0xffff;
	_ =	sdelay $0x5  }
0x43: {  	v1 =	vld [tilespmem:s3+$0x18710];
	[tilespmem:s31+$0x1A7F0] =	vst v0;
	s31 =	smov.u32 s3  }
0x44: {  	v0 =	vld.idx.msk [tilespmem:v2+s4+$0x0], $0xffff;
	_ =	sdelay $0x5  }
0x45: {  	[tilespmem:s31+$0x1A700] =	vst v0;
	v0 =	vld [tilespmem:s31+$0x18720]  }
0x46: {  	v1 =	vld.idx.msk [tilespmem:v1+s4+$0x0], $0xffff;
	_ =	sdelay $0x5  }
0x47: {  	[tilespmem:s31+$0x1A710] =	vst v1;
	v1 =	vld [tilespmem:s31+$0x18730]  }
0x48: {  	v0 =	vld.idx.msk [tilespmem:v0+s4+$0x0], $0xffff;
	_ =	sdelay $0x5  }
0x49: {  	[tilespmem:s31+$0x1A720] =	vst v0;
	v0 =	vld [tilespmem:s31+$0x18740]  }
0x4a: {  	v1 =	vld.idx.msk [tilespmem:v1+s4+$0x0], $0xffff;
	_ =	sdelay $0x5  }
0x4b: {  	[tilespmem:s31+$0x1A730] =	vst v1;
	v1 =	vld [tilespmem:s31+$0x18750]  }
0x4c: {  	v0 =	vld.idx.msk [tilespmem:v0+s4+$0x0], $0xffff;
	_ =	sdelay $0x5  }
0x4d: {  	[tilespmem:s31+$0x1A740] =	vst v0;
	v0 =	vld [tilespmem:s31+$0x18760]  }
0x4e: {  	v1 =	vld.idx.msk [tilespmem:v1+s4+$0x0], $0xffff;
	_ =	sdelay $0x5  }
0x4f: {  	[tilespmem:s31+$0x1A750] =	vst v1;
	v1 =	vld [tilespmem:s31+$0x18770]  }
0x50: {  	v0 =	vld.idx.msk [tilespmem:v0+s4+$0x0], $0xffff;
	_ =	sdelay $0x5  }
0x51: {  	[tilespmem:s31+$0x1A760] =	vst v0;
	v0 =	vld [tilespmem:s31+$0x18780]  }
0x52: {  	v1 =	vld.idx.msk [tilespmem:v1+s4+$0x0], $0xffff;
	_ =	sdelay $0x5  }
0x53: {  	[tilespmem:s31+$0x1A770] =	vst v1;
	v1 =	vld [tilespmem:s31+$0x18790]  }
0x54: {  	v0 =	vld.idx.msk [tilespmem:v0+s4+$0x0], $0xffff;
	_ =	sdelay $0x5  }
0x55: {  	[tilespmem:s31+$0x1A780] =	vst v0;
	v0 =	vld [tilespmem:s31+$0x187A0]  }
0x56: {  	v1 =	vld.idx.msk [tilespmem:v1+s4+$0x0], $0xffff;
	_ =	sdelay $0x5  }
0x57: {  	[tilespmem:s31+$0x1A790] =	vst v1;
	v1 =	vld [tilespmem:s31+$0x187B0]  }
0x58: {  	v0 =	vld.idx.msk [tilespmem:v0+s4+$0x0], $0xffff;
	_ =	sdelay $0x5  }
0x59: {  	[tilespmem:s31+$0x1A7A0] =	vst v0;
	v0 =	vld [tilespmem:s31+$0x187C0]  }
0x5a: {  	v1 =	vld.idx.msk [tilespmem:v1+s4+$0x0], $0xffff;
	_ =	sdelay $0x5  }
0x5b: {  	[tilespmem:s31+$0x1A7B0] =	vst v1;
	v1 =	vld [tilespmem:s31+$0x187D0]  }
0x5c: {  	v0 =	vld.idx.msk [tilespmem:v0+s4+$0x0], $0xffff;
	_ =	sdelay $0x5  }
0x5d: {  	[tilespmem:s31+$0x1A7C0] =	vst v0;
	v2 =	vld [tilespmem:s31+$0x187E0]  }
0x5e: {  	v0 =	vld.idx.msk [tilespmem:v1+s4+$0x0], $0xffff;
	_ =	sdelay $0x5  }
0x5f: {  	[tilespmem:s31+$0x1A7D0] =	vst v0;
	v0 =	vld [tilespmem:s31+$0x187F0]  }
0x60: {  	v1 =	vld.idx.msk [tilespmem:v2+s4+$0x0], $0xffff  }
.Ltmp0:
0x61: {  	(pc) =	sbr.rel @p0 .LBB2_3-.Ltmp0, $2  }
0x62: {  	_ =	sdelay $0x2  }
0x63: {  	s3 =	sshra.s32 s0, $0x2;
	s0 =	sadd.s32 $0x400, s0  }
0x64: {  	_ =	sdelay $0x1  }
0x65: {  	v2 =	vld [tilespmem:s3+$0x18700]  }
0x66: {  	[tilespmem:s31+$0x1A7E0] =	vst v1  }
0x67: {  	v0 =	vld.idx.msk [tilespmem:v0+s4+$0x0], $0xffff;
	_ =	sdelay $0x3  }
0x68: {  	v1 =	vld [tilespmem:s3+$0x18710]  }
0x69: {  	[tilespmem:s31+$0x1A7F0] =	vst v0  }
0x6a: {  	v0 =	vld.idx.msk [tilespmem:v2+s4+$0x0], $0xffff;
	_ =	sdelay $0x4  }
0x6b: {  	[tilespmem:s3+$0x1A700] =	vst v0;
	v0 =	vld [tilespmem:s3+$0x18720]  }
0x6c: {  	v1 =	vld.idx.msk [tilespmem:v1+s4+$0x0], $0xffff;
	_ =	sdelay $0x4  }
0x6d: {  	[tilespmem:s3+$0x1A710] =	vst v1;
	v1 =	vld [tilespmem:s3+$0x18730];
	_ =	sdelay $0x1  }
0x6e: {  	v0 =	vld.idx.msk [tilespmem:v0+s4+$0x0], $0xffff;
	_ =	sdelay $0x4  }
0x6f: {  	[tilespmem:s3+$0x1A720] =	vst v0;
	v0 =	vld [tilespmem:s3+$0x18740]  }
0x70: {  	v1 =	vld.idx.msk [tilespmem:v1+s4+$0x0], $0xffff;
	_ =	sdelay $0x4  }
0x71: {  	[tilespmem:s3+$0x1A730] =	vst v1;
	v1 =	vld [tilespmem:s3+$0x18750];
	_ =	sdelay $0x1  }
0x72: {  	v0 =	vld.idx.msk [tilespmem:v0+s4+$0x0], $0xffff;
	_ =	sdelay $0x4  }
0x73: {  	[tilespmem:s3+$0x1A740] =	vst v0;
	v0 =	vld [tilespmem:s3+$0x18760]  }
0x74: {  	v1 =	vld.idx.msk [tilespmem:v1+s4+$0x0], $0xffff;
	_ =	sdelay $0x4  }
0x75: {  	[tilespmem:s3+$0x1A750] =	vst v1;
	v1 =	vld [tilespmem:s3+$0x18770];
	_ =	sdelay $0x1  }
0x76: {  	v0 =	vld.idx.msk [tilespmem:v0+s4+$0x0], $0xffff;
	_ =	sdelay $0x4  }
0x77: {  	[tilespmem:s3+$0x1A760] =	vst v0;
	v0 =	vld [tilespmem:s3+$0x18780]  }
0x78: {  	v1 =	vld.idx.msk [tilespmem:v1+s4+$0x0], $0xffff;
	_ =	sdelay $0x4  }
0x79: {  	[tilespmem:s3+$0x1A770] =	vst v1;
	v1 =	vld [tilespmem:s3+$0x18790];
	_ =	sdelay $0x1  }
0x7a: {  	v0 =	vld.idx.msk [tilespmem:v0+s4+$0x0], $0xffff;
	_ =	sdelay $0x4  }
0x7b: {  	[tilespmem:s3+$0x1A780] =	vst v0;
	v0 =	vld [tilespmem:s3+$0x187A0]  }
0x7c: {  	v1 =	vld.idx.msk [tilespmem:v1+s4+$0x0], $0xffff;
	_ =	sdelay $0x4  }
0x7d: {  	[tilespmem:s3+$0x1A790] =	vst v1;
	v1 =	vld [tilespmem:s3+$0x187B0];
	_ =	sdelay $0x1  }
0x7e: {  	v0 =	vld.idx.msk [tilespmem:v0+s4+$0x0], $0xffff;
	_ =	sdelay $0x4  }
0x7f: {  	[tilespmem:s3+$0x1A7A0] =	vst v0;
	v0 =	vld [tilespmem:s3+$0x187C0]  }
0x80: {  	v1 =	vld.idx.msk [tilespmem:v1+s4+$0x0], $0xffff;
	_ =	sdelay $0x4  }
0x81: {  	[tilespmem:s3+$0x1A7B0] =	vst v1;
	v1 =	vld [tilespmem:s3+$0x187D0];
	_ =	sdelay $0x1  }
0x82: {  	v0 =	vld.idx.msk [tilespmem:v0+s4+$0x0], $0xffff;
	_ =	sdelay $0x4  }
0x83: {  	[tilespmem:s3+$0x1A7C0] =	vst v0;
	v0 =	vld [tilespmem:s3+$0x187E0]  }
0x84: {  	v1 =	vld.idx.msk [tilespmem:v1+s4+$0x0], $0xffff;
	_ =	sdelay $0x4  }
0x85: {  	[tilespmem:s3+$0x1A7D0] =	vst v1;
	v1 =	vld [tilespmem:s3+$0x187F0];
	_ =	sdelay $0x1  }
0x86: {  	v0 =	vld.idx.msk [tilespmem:v0+s4+$0x0], $0xffff;
	_ =	sdelay $0x4  }
0x87: {  	[tilespmem:s3+$0x1A7E0] =	vst v0  }
0x88: {  	v0 =	vld.idx.msk [tilespmem:v1+s4+$0x0], $0xffff;
	_ =	sdelay $0x1  }
0x89: {  	s0 =	sshll.u32 s28, $0x11  }
0x8a: {  	s0 =	sor.u32 s30, s0  }
0x8b: {  	s28 =	sshrl.u32 s0, $0x3  }
0x8c: {  	s0 =	sadd.s32 s5, s28;
	[tilespmem:s3+$0x1A7F0] =	vst v0  }
0x8d: {  	[hbm4b:s0+s14] =	stream.strided.scatter [tilespmem:s20], [sflag:$0x4], $0x1000, s15, s14, $0x38;
	[tilespmem:$0x1C700] =	vst v63  }
0x8e: {  	_ =	swait.ge [sflag:s21], $0x1000  }
0x8f: {  	[sflag:s21] =	ssyncset.done $0x0  }
0x90: {  	s30 =	simm.s32 $0x0;
	s31 =	sadd.s32 s29, s8;
	[sflag:s21] =	ssyncadd.s32 $0xFFFFF000  }
0x91: {  	[tilespmem:s16], [sflag:$0x2] =	stream.strided.gather [hbm4b:s31+s14], $0x1000, s15, s14, $0x38;
	[tilespmem:$0x1C700] =	vst v63  }
0x92: {  	v0 =	vld [tilespmem:s30+$0x19700];
	_ =	sdelay $0x5  }
0x93: {  	v1 =	vld [tilespmem:s30+$0x19710];
	_ =	sdelay $0x1  }
0x94: {  	v0 =	vld.idx.msk [tilespmem:v0+s4+$0x0], $0xffff;
	_ =	sdelay $0x4  }
0x95: {  	[tilespmem:s30+$0x1B700] =	vst v0;
	v0 =	vld [tilespmem:s30+$0x19720]  }
0x96: {  	v1 =	vld.idx.msk [tilespmem:v1+s4+$0x0], $0xffff;
	_ =	sdelay $0x4  }
0x97: {  	[tilespmem:s30+$0x1B710] =	vst v1;
	v1 =	vld [tilespmem:s30+$0x19730];
	_ =	sdelay $0x1  }
0x98: {  	v0 =	vld.idx.msk [tilespmem:v0+s4+$0x0], $0xffff;
	_ =	sdelay $0x4  }
0x99: {  	[tilespmem:s30+$0x1B720] =	vst v0;
	v0 =	vld [tilespmem:s30+$0x19740]  }
0x9a: {  	v1 =	vld.idx.msk [tilespmem:v1+s4+$0x0], $0xffff;
	_ =	sdelay $0x4  }
0x9b: {  	[tilespmem:s30+$0x1B730] =	vst v1;
	v1 =	vld [tilespmem:s30+$0x19750];
	_ =	sdelay $0x1  }
0x9c: {  	v0 =	vld.idx.msk [tilespmem:v0+s4+$0x0], $0xffff;
	_ =	sdelay $0x4  }
0x9d: {  	[tilespmem:s30+$0x1B740] =	vst v0;
	v0 =	vld [tilespmem:s30+$0x19760]  }
0x9e: {  	v1 =	vld.idx.msk [tilespmem:v1+s4+$0x0], $0xffff;
	_ =	sdelay $0x4  }
0x9f: {  	[tilespmem:s30+$0x1B750] =	vst v1;
	v1 =	vld [tilespmem:s30+$0x19770];
	_ =	sdelay $0x1  }
0xa0: {  	v0 =	vld.idx.msk [tilespmem:v0+s4+$0x0], $0xffff;
	_ =	sdelay $0x4  }
0xa1: {  	[tilespmem:s30+$0x1B760] =	vst v0;
	v0 =	vld [tilespmem:s30+$0x19780]  }
0xa2: {  	v1 =	vld.idx.msk [tilespmem:v1+s4+$0x0], $0xffff;
	_ =	sdelay $0x4  }
0xa3: {  	[tilespmem:s30+$0x1B770] =	vst v1;
	v1 =	vld [tilespmem:s30+$0x19790];
	_ =	sdelay $0x1  }
0xa4: {  	v0 =	vld.idx.msk [tilespmem:v0+s4+$0x0], $0xffff;
	_ =	sdelay $0x4  }
0xa5: {  	[tilespmem:s30+$0x1B780] =	vst v0;
	v0 =	vld [tilespmem:s30+$0x197A0]  }
0xa6: {  	v1 =	vld.idx.msk [tilespmem:v1+s4+$0x0], $0xffff;
	_ =	sdelay $0x4  }
0xa7: {  	[tilespmem:s30+$0x1B790] =	vst v1;
	v1 =	vld [tilespmem:s30+$0x197B0];
	_ =	sdelay $0x1  }
0xa8: {  	v0 =	vld.idx.msk [tilespmem:v0+s4+$0x0], $0xffff;
	_ =	sdelay $0x4  }
0xa9: {  	[tilespmem:s30+$0x1B7A0] =	vst v0;
	v0 =	vld [tilespmem:s30+$0x197C0]  }
0xaa: {  	v1 =	vld.idx.msk [tilespmem:v1+s4+$0x0], $0xffff;
	_ =	sdelay $0x4  }
0xab: {  	[tilespmem:s30+$0x1B7B0] =	vst v1;
	v1 =	vld [tilespmem:s30+$0x197D0];
	_ =	sdelay $0x1  }
0xac: {  	v0 =	vld.idx.msk [tilespmem:v0+s4+$0x0], $0xffff;
	_ =	sdelay $0x4  }
0xad: {  	v2 =	vld [tilespmem:s30+$0x197E0];
	[tilespmem:s30+$0x1B7C0] =	vst v0  }
0xae: {  	v0 =	vld.idx.msk [tilespmem:v1+s4+$0x0], $0xffff;
	_ =	sdelay $0x4  }
0xaf: {  	[tilespmem:s30+$0x1B7D0] =	vst v0;
	v0 =	vld [tilespmem:s30+$0x197F0];
	_ =	sdelay $0x1  }
0xb0: {  	v1 =	vld.idx.msk [tilespmem:v2+s4+$0x0], $0xffff;
	_ =	sdelay $0x3  }
0xb1: {  	s3 =	simm.s32 $0x100;
	s0 =	simm.s32 $0x800  }
.LBB2_5:
0xb2: {  	p0 =	sne.s32 s0, $0x3C00;
	v2 =	vld [tilespmem:s3+$0x19700];
	[tilespmem:s30+$0x1B7E0] =	vst v1  }
0xb3: {  	v0 =	vld.idx.msk [tilespmem:v0+s4+$0x0], $0xffff;
	_ =	sdelay $0x5  }
0xb4: {  	v1 =	vld [tilespmem:s3+$0x19710];
	[tilespmem:s30+$0x1B7F0] =	vst v0;
	s30 =	smov.u32 s3  }
0xb5: {  	v0 =	vld.idx.msk [tilespmem:v2+s4+$0x0], $0xffff;
	_ =	sdelay $0x5  }
0xb6: {  	[tilespmem:s30+$0x1B700] =	vst v0;
	v0 =	vld [tilespmem:s30+$0x19720]  }
0xb7: {  	v1 =	vld.idx.msk [tilespmem:v1+s4+$0x0], $0xffff;
	_ =	sdelay $0x5  }
0xb8: {  	[tilespmem:s30+$0x1B710] =	vst v1;
	v1 =	vld [tilespmem:s30+$0x19730]  }
0xb9: {  	v0 =	vld.idx.msk [tilespmem:v0+s4+$0x0], $0xffff;
	_ =	sdelay $0x5  }
0xba: {  	[tilespmem:s30+$0x1B720] =	vst v0;
	v0 =	vld [tilespmem:s30+$0x19740]  }
0xbb: {  	v1 =	vld.idx.msk [tilespmem:v1+s4+$0x0], $0xffff;
	_ =	sdelay $0x5  }
0xbc: {  	[tilespmem:s30+$0x1B730] =	vst v1;
	v1 =	vld [tilespmem:s30+$0x19750]  }
0xbd: {  	v0 =	vld.idx.msk [tilespmem:v0+s4+$0x0], $0xffff;
	_ =	sdelay $0x5  }
0xbe: {  	[tilespmem:s30+$0x1B740] =	vst v0;
	v0 =	vld [tilespmem:s30+$0x19760]  }
0xbf: {  	v1 =	vld.idx.msk [tilespmem:v1+s4+$0x0], $0xffff;
	_ =	sdelay $0x5  }
0xc0: {  	[tilespmem:s30+$0x1B750] =	vst v1;
	v1 =	vld [tilespmem:s30+$0x19770]  }
0xc1: {  	v0 =	vld.idx.msk [tilespmem:v0+s4+$0x0], $0xffff;
	_ =	sdelay $0x5  }
0xc2: {  	[tilespmem:s30+$0x1B760] =	vst v0;
	v0 =	vld [tilespmem:s30+$0x19780]  }
0xc3: {  	v1 =	vld.idx.msk [tilespmem:v1+s4+$0x0], $0xffff;
	_ =	sdelay $0x5  }
0xc4: {  	[tilespmem:s30+$0x1B770] =	vst v1;
	v1 =	vld [tilespmem:s30+$0x19790]  }
0xc5: {  	v0 =	vld.idx.msk [tilespmem:v0+s4+$0x0], $0xffff;
	_ =	sdelay $0x5  }
0xc6: {  	[tilespmem:s30+$0x1B780] =	vst v0;
	v0 =	vld [tilespmem:s30+$0x197A0]  }
0xc7: {  	v1 =	vld.idx.msk [tilespmem:v1+s4+$0x0], $0xffff;
	_ =	sdelay $0x5  }
0xc8: {  	[tilespmem:s30+$0x1B790] =	vst v1;
	v1 =	vld [tilespmem:s30+$0x197B0]  }
0xc9: {  	v0 =	vld.idx.msk [tilespmem:v0+s4+$0x0], $0xffff;
	_ =	sdelay $0x5  }
0xca: {  	[tilespmem:s30+$0x1B7A0] =	vst v0;
	v0 =	vld [tilespmem:s30+$0x197C0]  }
0xcb: {  	v1 =	vld.idx.msk [tilespmem:v1+s4+$0x0], $0xffff;
	_ =	sdelay $0x5  }
0xcc: {  	[tilespmem:s30+$0x1B7B0] =	vst v1;
	v1 =	vld [tilespmem:s30+$0x197D0]  }
0xcd: {  	v0 =	vld.idx.msk [tilespmem:v0+s4+$0x0], $0xffff;
	_ =	sdelay $0x5  }
0xce: {  	[tilespmem:s30+$0x1B7C0] =	vst v0;
	v2 =	vld [tilespmem:s30+$0x197E0]  }
0xcf: {  	v0 =	vld.idx.msk [tilespmem:v1+s4+$0x0], $0xffff;
	_ =	sdelay $0x5  }
0xd0: {  	[tilespmem:s30+$0x1B7D0] =	vst v0;
	v0 =	vld [tilespmem:s30+$0x197F0]  }
0xd1: {  	v1 =	vld.idx.msk [tilespmem:v2+s4+$0x0], $0xffff  }
.Ltmp1:
0xd2: {  	(pc) =	sbr.rel @p0 .LBB2_5-.Ltmp1, $2  }
0xd3: {  	_ =	sdelay $0x2  }
0xd4: {  	s3 =	sshra.s32 s0, $0x2;
	s0 =	sadd.s32 $0x400, s0  }
0xd5: {  	_ =	sdelay $0x1  }
0xd6: {  	v2 =	vld [tilespmem:s3+$0x19700]  }
0xd7: {  	[tilespmem:s30+$0x1B7E0] =	vst v1  }
0xd8: {  	v0 =	vld.idx.msk [tilespmem:v0+s4+$0x0], $0xffff;
	_ =	sdelay $0x3  }
0xd9: {  	v1 =	vld [tilespmem:s3+$0x19710]  }
0xda: {  	[tilespmem:s30+$0x1B7F0] =	vst v0  }
0xdb: {  	v0 =	vld.idx.msk [tilespmem:v2+s4+$0x0], $0xffff;
	_ =	sdelay $0x4  }
0xdc: {  	[tilespmem:s3+$0x1B700] =	vst v0;
	v0 =	vld [tilespmem:s3+$0x19720]  }
0xdd: {  	v1 =	vld.idx.msk [tilespmem:v1+s4+$0x0], $0xffff;
	_ =	sdelay $0x4  }
0xde: {  	[tilespmem:s3+$0x1B710] =	vst v1;
	v1 =	vld [tilespmem:s3+$0x19730];
	_ =	sdelay $0x1  }
0xdf: {  	v0 =	vld.idx.msk [tilespmem:v0+s4+$0x0], $0xffff;
	_ =	sdelay $0x4  }
0xe0: {  	[tilespmem:s3+$0x1B720] =	vst v0;
	v0 =	vld [tilespmem:s3+$0x19740]  }
0xe1: {  	v1 =	vld.idx.msk [tilespmem:v1+s4+$0x0], $0xffff;
	_ =	sdelay $0x4  }
0xe2: {  	[tilespmem:s3+$0x1B730] =	vst v1;
	v1 =	vld [tilespmem:s3+$0x19750];
	_ =	sdelay $0x1  }
0xe3: {  	v0 =	vld.idx.msk [tilespmem:v0+s4+$0x0], $0xffff;
	_ =	sdelay $0x4  }
0xe4: {  	[tilespmem:s3+$0x1B740] =	vst v0;
	v0 =	vld [tilespmem:s3+$0x19760]  }
0xe5: {  	v1 =	vld.idx.msk [tilespmem:v1+s4+$0x0], $0xffff;
	_ =	sdelay $0x4  }
0xe6: {  	[tilespmem:s3+$0x1B750] =	vst v1;
	v1 =	vld [tilespmem:s3+$0x19770];
	_ =	sdelay $0x1  }
0xe7: {  	v0 =	vld.idx.msk [tilespmem:v0+s4+$0x0], $0xffff;
	_ =	sdelay $0x4  }
0xe8: {  	[tilespmem:s3+$0x1B760] =	vst v0;
	v0 =	vld [tilespmem:s3+$0x19780]  }
0xe9: {  	v1 =	vld.idx.msk [tilespmem:v1+s4+$0x0], $0xffff;
	_ =	sdelay $0x4  }
0xea: {  	[tilespmem:s3+$0x1B770] =	vst v1;
	v1 =	vld [tilespmem:s3+$0x19790];
	_ =	sdelay $0x1  }
0xeb: {  	v0 =	vld.idx.msk [tilespmem:v0+s4+$0x0], $0xffff;
	_ =	sdelay $0x4  }
0xec: {  	[tilespmem:s3+$0x1B780] =	vst v0;
	v0 =	vld [tilespmem:s3+$0x197A0]  }
0xed: {  	v1 =	vld.idx.msk [tilespmem:v1+s4+$0x0], $0xffff;
	_ =	sdelay $0x4  }
0xee: {  	[tilespmem:s3+$0x1B790] =	vst v1;
	v1 =	vld [tilespmem:s3+$0x197B0];
	_ =	sdelay $0x1  }
0xef: {  	v0 =	vld.idx.msk [tilespmem:v0+s4+$0x0], $0xffff;
	_ =	sdelay $0x4  }
0xf0: {  	[tilespmem:s3+$0x1B7A0] =	vst v0;
	v0 =	vld [tilespmem:s3+$0x197C0]  }
0xf1: {  	v1 =	vld.idx.msk [tilespmem:v1+s4+$0x0], $0xffff;
	_ =	sdelay $0x4  }
0xf2: {  	[tilespmem:s3+$0x1B7B0] =	vst v1;
	v1 =	vld [tilespmem:s3+$0x197D0];
	_ =	sdelay $0x1  }
0xf3: {  	v0 =	vld.idx.msk [tilespmem:v0+s4+$0x0], $0xffff;
	_ =	sdelay $0x4  }
0xf4: {  	[tilespmem:s3+$0x1B7C0] =	vst v0;
	v0 =	vld [tilespmem:s3+$0x197E0]  }
0xf5: {  	v1 =	vld.idx.msk [tilespmem:v1+s4+$0x0], $0xffff;
	_ =	sdelay $0x4  }
0xf6: {  	[tilespmem:s3+$0x1B7D0] =	vst v1;
	v1 =	vld [tilespmem:s3+$0x197F0];
	_ =	sdelay $0x1  }
0xf7: {  	v0 =	vld.idx.msk [tilespmem:v0+s4+$0x0], $0xffff;
	_ =	sdelay $0x4  }
0xf8: {  	[tilespmem:s3+$0x1B7E0] =	vst v0  }
0xf9: {  	v0 =	vld.idx.msk [tilespmem:v1+s4+$0x0], $0xffff;
	_ =	sdelay $0x4  }
0xfa: {  	s0 =	sadd.s32 s28, s9;
	[tilespmem:s3+$0x1B7F0] =	vst v0  }
0xfb: {  	[hbm4b:s0+s14] =	stream.strided.scatter [tilespmem:s22], [sflag:$0x5], $0x1000, s15, s14, $0x38;
	[tilespmem:$0x1C700] =	vst v63  }
0xfc: {  	_ =	swait.ge [sflag:s18], $0x1000  }
0xfd: {  	[sflag:s18] =	ssyncset.done $0x0  }
0xfe: {  	s31 =	sadd.s32 s29, s10;
	[sflag:s18] =	ssyncadd.s32 $0xFFFFF000  }
0xff: {  	[tilespmem:s19], [sflag:$0x3] =	stream.strided.gather [hbm4b:s31+s14], $0x1000, s15, s14, $0x38;
	[tilespmem:$0x1C700] =	vst v63  }
0x100: {  	_ =	swait.ge [sflag:s23], $0x1000  }
0x101: {  	[sflag:s23] =	ssyncset.done $0x0  }
0x102: {  	s29 =	simm.s32 $0x0;
	[sflag:s23] =	ssyncadd.s32 $0xFFFFF000  }
0x103: {  	v0 =	vld [tilespmem:s29+$0x18700];
	_ =	sdelay $0x5  }
0x104: {  	v1 =	vld [tilespmem:s29+$0x18710];
	_ =	sdelay $0x1  }
0x105: {  	v0 =	vld.idx.msk [tilespmem:v0+s4+$0x0], $0xffff;
	_ =	sdelay $0x4  }
0x106: {  	[tilespmem:s29+$0x1A700] =	vst v0;
	v0 =	vld [tilespmem:s29+$0x18720]  }
0x107: {  	v1 =	vld.idx.msk [tilespmem:v1+s4+$0x0], $0xffff;
	_ =	sdelay $0x4  }
0x108: {  	[tilespmem:s29+$0x1A710] =	vst v1;
	v1 =	vld [tilespmem:s29+$0x18730];
	_ =	sdelay $0x1  }
0x109: {  	v0 =	vld.idx.msk [tilespmem:v0+s4+$0x0], $0xffff;
	_ =	sdelay $0x4  }
0x10a: {  	[tilespmem:s29+$0x1A720] =	vst v0;
	v0 =	vld [tilespmem:s29+$0x18740]  }
0x10b: {  	v1 =	vld.idx.msk [tilespmem:v1+s4+$0x0], $0xffff;
	_ =	sdelay $0x4  }
0x10c: {  	[tilespmem:s29+$0x1A730] =	vst v1;
	v1 =	vld [tilespmem:s29+$0x18750];
	_ =	sdelay $0x1  }
0x10d: {  	v0 =	vld.idx.msk [tilespmem:v0+s4+$0x0], $0xffff;
	_ =	sdelay $0x4  }
0x10e: {  	[tilespmem:s29+$0x1A740] =	vst v0;
	v0 =	vld [tilespmem:s29+$0x18760]  }
0x10f: {  	v1 =	vld.idx.msk [tilespmem:v1+s4+$0x0], $0xffff;
	_ =	sdelay $0x4  }
0x110: {  	[tilespmem:s29+$0x1A750] =	vst v1;
	v1 =	vld [tilespmem:s29+$0x18770];
	_ =	sdelay $0x1  }
0x111: {  	v0 =	vld.idx.msk [tilespmem:v0+s4+$0x0], $0xffff;
	_ =	sdelay $0x4  }
0x112: {  	[tilespmem:s29+$0x1A760] =	vst v0;
	v0 =	vld [tilespmem:s29+$0x18780]  }
0x113: {  	v1 =	vld.idx.msk [tilespmem:v1+s4+$0x0], $0xffff;
	_ =	sdelay $0x4  }
0x114: {  	[tilespmem:s29+$0x1A770] =	vst v1;
	v1 =	vld [tilespmem:s29+$0x18790];
	_ =	sdelay $0x1  }
0x115: {  	v0 =	vld.idx.msk [tilespmem:v0+s4+$0x0], $0xffff;
	_ =	sdelay $0x4  }
0x116: {  	[tilespmem:s29+$0x1A780] =	vst v0;
	v0 =	vld [tilespmem:s29+$0x187A0]  }
0x117: {  	v1 =	vld.idx.msk [tilespmem:v1+s4+$0x0], $0xffff;
	_ =	sdelay $0x4  }
0x118: {  	[tilespmem:s29+$0x1A790] =	vst v1;
	v1 =	vld [tilespmem:s29+$0x187B0];
	_ =	sdelay $0x1  }
0x119: {  	v0 =	vld.idx.msk [tilespmem:v0+s4+$0x0], $0xffff;
	_ =	sdelay $0x4  }
0x11a: {  	[tilespmem:s29+$0x1A7A0] =	vst v0;
	v0 =	vld [tilespmem:s29+$0x187C0]  }
0x11b: {  	v1 =	vld.idx.msk [tilespmem:v1+s4+$0x0], $0xffff;
	_ =	sdelay $0x4  }
0x11c: {  	[tilespmem:s29+$0x1A7B0] =	vst v1;
	v1 =	vld [tilespmem:s29+$0x187D0];
	_ =	sdelay $0x1  }
0x11d: {  	v0 =	vld.idx.msk [tilespmem:v0+s4+$0x0], $0xffff;
	_ =	sdelay $0x4  }
0x11e: {  	v2 =	vld [tilespmem:s29+$0x187E0];
	[tilespmem:s29+$0x1A7C0] =	vst v0  }
0x11f: {  	v0 =	vld.idx.msk [tilespmem:v1+s4+$0x0], $0xffff;
	_ =	sdelay $0x4  }
0x120: {  	[tilespmem:s29+$0x1A7D0] =	vst v0;
	v0 =	vld [tilespmem:s29+$0x187F0];
	_ =	sdelay $0x1  }
0x121: {  	v1 =	vld.idx.msk [tilespmem:v2+s4+$0x0], $0xffff;
	_ =	sdelay $0x3  }
0x122: {  	s3 =	simm.s32 $0x100;
	s0 =	simm.s32 $0x800  }
.LBB2_7:
0x123: {  	p0 =	sne.s32 s0, $0x3C00;
	v2 =	vld [tilespmem:s3+$0x18700];
	[tilespmem:s29+$0x1A7E0] =	vst v1  }
0x124: {  	v0 =	vld.idx.msk [tilespmem:v0+s4+$0x0], $0xffff;
	_ =	sdelay $0x5  }
0x125: {  	v1 =	vld [tilespmem:s3+$0x18710];
	[tilespmem:s29+$0x1A7F0] =	vst v0;
	s29 =	smov.u32 s3  }
0x126: {  	v0 =	vld.idx.msk [tilespmem:v2+s4+$0x0], $0xffff;
	_ =	sdelay $0x5  }
0x127: {  	[tilespmem:s29+$0x1A700] =	vst v0;
	v0 =	vld [tilespmem:s29+$0x18720]  }
0x128: {  	v1 =	vld.idx.msk [tilespmem:v1+s4+$0x0], $0xffff;
	_ =	sdelay $0x5  }
0x129: {  	[tilespmem:s29+$0x1A710] =	vst v1;
	v1 =	vld [tilespmem:s29+$0x18730]  }
0x12a: {  	v0 =	vld.idx.msk [tilespmem:v0+s4+$0x0], $0xffff;
	_ =	sdelay $0x5  }
0x12b: {  	[tilespmem:s29+$0x1A720] =	vst v0;
	v0 =	vld [tilespmem:s29+$0x18740]  }
0x12c: {  	v1 =	vld.idx.msk [tilespmem:v1+s4+$0x0], $0xffff;
	_ =	sdelay $0x5  }
0x12d: {  	[tilespmem:s29+$0x1A730] =	vst v1;
	v1 =	vld [tilespmem:s29+$0x18750]  }
0x12e: {  	v0 =	vld.idx.msk [tilespmem:v0+s4+$0x0], $0xffff;
	_ =	sdelay $0x5  }
0x12f: {  	[tilespmem:s29+$0x1A740] =	vst v0;
	v0 =	vld [tilespmem:s29+$0x18760]  }
0x130: {  	v1 =	vld.idx.msk [tilespmem:v1+s4+$0x0], $0xffff;
	_ =	sdelay $0x5  }
0x131: {  	[tilespmem:s29+$0x1A750] =	vst v1;
	v1 =	vld [tilespmem:s29+$0x18770]  }
0x132: {  	v0 =	vld.idx.msk [tilespmem:v0+s4+$0x0], $0xffff;
	_ =	sdelay $0x5  }
0x133: {  	[tilespmem:s29+$0x1A760] =	vst v0;
	v0 =	vld [tilespmem:s29+$0x18780]  }
0x134: {  	v1 =	vld.idx.msk [tilespmem:v1+s4+$0x0], $0xffff;
	_ =	sdelay $0x5  }
0x135: {  	[tilespmem:s29+$0x1A770] =	vst v1;
	v1 =	vld [tilespmem:s29+$0x18790]  }
0x136: {  	v0 =	vld.idx.msk [tilespmem:v0+s4+$0x0], $0xffff;
	_ =	sdelay $0x5  }
0x137: {  	[tilespmem:s29+$0x1A780] =	vst v0;
	v0 =	vld [tilespmem:s29+$0x187A0]  }
0x138: {  	v1 =	vld.idx.msk [tilespmem:v1+s4+$0x0], $0xffff;
	_ =	sdelay $0x5  }
0x139: {  	[tilespmem:s29+$0x1A790] =	vst v1;
	v1 =	vld [tilespmem:s29+$0x187B0]  }
0x13a: {  	v0 =	vld.idx.msk [tilespmem:v0+s4+$0x0], $0xffff;
	_ =	sdelay $0x5  }
0x13b: {  	[tilespmem:s29+$0x1A7A0] =	vst v0;
	v0 =	vld [tilespmem:s29+$0x187C0]  }
0x13c: {  	v1 =	vld.idx.msk [tilespmem:v1+s4+$0x0], $0xffff;
	_ =	sdelay $0x5  }
0x13d: {  	[tilespmem:s29+$0x1A7B0] =	vst v1;
	v1 =	vld [tilespmem:s29+$0x187D0]  }
0x13e: {  	v0 =	vld.idx.msk [tilespmem:v0+s4+$0x0], $0xffff;
	_ =	sdelay $0x5  }
0x13f: {  	[tilespmem:s29+$0x1A7C0] =	vst v0;
	v2 =	vld [tilespmem:s29+$0x187E0]  }
0x140: {  	v0 =	vld.idx.msk [tilespmem:v1+s4+$0x0], $0xffff;
	_ =	sdelay $0x5  }
0x141: {  	[tilespmem:s29+$0x1A7D0] =	vst v0;
	v0 =	vld [tilespmem:s29+$0x187F0]  }
0x142: {  	v1 =	vld.idx.msk [tilespmem:v2+s4+$0x0], $0xffff  }
.Ltmp2:
0x143: {  	(pc) =	sbr.rel @p0 .LBB2_7-.Ltmp2, $2  }
0x144: {  	_ =	sdelay $0x2  }
0x145: {  	s3 =	sshra.s32 s0, $0x2;
	s0 =	sadd.s32 $0x400, s0  }
0x146: {  	_ =	sdelay $0x1  }
0x147: {  	v2 =	vld [tilespmem:s3+$0x18700]  }
0x148: {  	[tilespmem:s29+$0x1A7E0] =	vst v1  }
0x149: {  	v0 =	vld.idx.msk [tilespmem:v0+s4+$0x0], $0xffff;
	_ =	sdelay $0x3  }
0x14a: {  	v1 =	vld [tilespmem:s3+$0x18710]  }
0x14b: {  	[tilespmem:s29+$0x1A7F0] =	vst v0  }
0x14c: {  	v0 =	vld.idx.msk [tilespmem:v2+s4+$0x0], $0xffff;
	_ =	sdelay $0x4  }
0x14d: {  	[tilespmem:s3+$0x1A700] =	vst v0;
	v0 =	vld [tilespmem:s3+$0x18720]  }
0x14e: {  	v1 =	vld.idx.msk [tilespmem:v1+s4+$0x0], $0xffff;
	_ =	sdelay $0x4  }
0x14f: {  	[tilespmem:s3+$0x1A710] =	vst v1;
	v1 =	vld [tilespmem:s3+$0x18730];
	_ =	sdelay $0x1  }
0x150: {  	v0 =	vld.idx.msk [tilespmem:v0+s4+$0x0], $0xffff;
	_ =	sdelay $0x4  }
0x151: {  	[tilespmem:s3+$0x1A720] =	vst v0;
	v0 =	vld [tilespmem:s3+$0x18740]  }
0x152: {  	v1 =	vld.idx.msk [tilespmem:v1+s4+$0x0], $0xffff;
	_ =	sdelay $0x4  }
0x153: {  	[tilespmem:s3+$0x1A730] =	vst v1;
	v1 =	vld [tilespmem:s3+$0x18750];
	_ =	sdelay $0x1  }
0x154: {  	v0 =	vld.idx.msk [tilespmem:v0+s4+$0x0], $0xffff;
	_ =	sdelay $0x4  }
0x155: {  	[tilespmem:s3+$0x1A740] =	vst v0;
	v0 =	vld [tilespmem:s3+$0x18760]  }
0x156: {  	v1 =	vld.idx.msk [tilespmem:v1+s4+$0x0], $0xffff;
	_ =	sdelay $0x4  }
0x157: {  	[tilespmem:s3+$0x1A750] =	vst v1;
	v1 =	vld [tilespmem:s3+$0x18770];
	_ =	sdelay $0x1  }
0x158: {  	v0 =	vld.idx.msk [tilespmem:v0+s4+$0x0], $0xffff;
	_ =	sdelay $0x4  }
0x159: {  	[tilespmem:s3+$0x1A760] =	vst v0;
	v0 =	vld [tilespmem:s3+$0x18780]  }
0x15a: {  	v1 =	vld.idx.msk [tilespmem:v1+s4+$0x0], $0xffff;
	_ =	sdelay $0x4  }
0x15b: {  	[tilespmem:s3+$0x1A770] =	vst v1;
	v1 =	vld [tilespmem:s3+$0x18790];
	_ =	sdelay $0x1  }
0x15c: {  	v0 =	vld.idx.msk [tilespmem:v0+s4+$0x0], $0xffff;
	_ =	sdelay $0x4  }
0x15d: {  	[tilespmem:s3+$0x1A780] =	vst v0;
	v0 =	vld [tilespmem:s3+$0x187A0]  }
0x15e: {  	v1 =	vld.idx.msk [tilespmem:v1+s4+$0x0], $0xffff;
	_ =	sdelay $0x4  }
0x15f: {  	[tilespmem:s3+$0x1A790] =	vst v1;
	v1 =	vld [tilespmem:s3+$0x187B0];
	_ =	sdelay $0x1  }
0x160: {  	v0 =	vld.idx.msk [tilespmem:v0+s4+$0x0], $0xffff;
	_ =	sdelay $0x4  }
0x161: {  	[tilespmem:s3+$0x1A7A0] =	vst v0;
	v0 =	vld [tilespmem:s3+$0x187C0]  }
0x162: {  	v1 =	vld.idx.msk [tilespmem:v1+s4+$0x0], $0xffff;
	_ =	sdelay $0x4  }
0x163: {  	[tilespmem:s3+$0x1A7B0] =	vst v1;
	v1 =	vld [tilespmem:s3+$0x187D0];
	_ =	sdelay $0x1  }
0x164: {  	v0 =	vld.idx.msk [tilespmem:v0+s4+$0x0], $0xffff;
	_ =	sdelay $0x4  }
0x165: {  	[tilespmem:s3+$0x1A7C0] =	vst v0;
	v0 =	vld [tilespmem:s3+$0x187E0]  }
0x166: {  	v1 =	vld.idx.msk [tilespmem:v1+s4+$0x0], $0xffff;
	_ =	sdelay $0x4  }
0x167: {  	[tilespmem:s3+$0x1A7D0] =	vst v1;
	v1 =	vld [tilespmem:s3+$0x187F0];
	_ =	sdelay $0x1  }
0x168: {  	v0 =	vld.idx.msk [tilespmem:v0+s4+$0x0], $0xffff;
	_ =	sdelay $0x4  }
0x169: {  	[tilespmem:s3+$0x1A7E0] =	vst v0  }
0x16a: {  	v0 =	vld.idx.msk [tilespmem:v1+s4+$0x0], $0xffff;
	_ =	sdelay $0x4  }
0x16b: {  	s0 =	sadd.s32 s28, s11;
	[tilespmem:s3+$0x1A7F0] =	vst v0  }
0x16c: {  	[hbm4b:s0+s14] =	stream.strided.scatter [tilespmem:s20], [sflag:$0x4], $0x1000, s15, s14, $0x38;
	[tilespmem:$0x1C700] =	vst v63  }
0x16d: {  	_ =	swait.ge [sflag:s21], $0x1000  }
0x16e: {  	[sflag:s21] =	ssyncset.done $0x0  }
0x16f: {  	[sflag:s21] =	ssyncadd.s32 $0xFFFFF000  }
0x170: {  	_ =	swait.ge [sflag:s24], $0x1000  }
0x171: {  	[sflag:s24] =	ssyncset.done $0x0  }
0x172: {  	s29 =	simm.s32 $0x0;
	[sflag:s24] =	ssyncadd.s32 $0xFFFFF000  }
0x173: {  	v0 =	vld [tilespmem:s29+$0x19700];
	_ =	sdelay $0x5  }
0x174: {  	v1 =	vld [tilespmem:s29+$0x19710];
	_ =	sdelay $0x1  }
0x175: {  	v0 =	vld.idx.msk [tilespmem:v0+s4+$0x0], $0xffff;
	_ =	sdelay $0x4  }
0x176: {  	[tilespmem:s29+$0x1B700] =	vst v0;
	v0 =	vld [tilespmem:s29+$0x19720]  }
0x177: {  	v1 =	vld.idx.msk [tilespmem:v1+s4+$0x0], $0xffff;
	_ =	sdelay $0x4  }
0x178: {  	[tilespmem:s29+$0x1B710] =	vst v1;
	v1 =	vld [tilespmem:s29+$0x19730];
	_ =	sdelay $0x1  }
0x179: {  	v0 =	vld.idx.msk [tilespmem:v0+s4+$0x0], $0xffff;
	_ =	sdelay $0x4  }
0x17a: {  	[tilespmem:s29+$0x1B720] =	vst v0;
	v0 =	vld [tilespmem:s29+$0x19740]  }
0x17b: {  	v1 =	vld.idx.msk [tilespmem:v1+s4+$0x0], $0xffff;
	_ =	sdelay $0x4  }
0x17c: {  	[tilespmem:s29+$0x1B730] =	vst v1;
	v1 =	vld [tilespmem:s29+$0x19750];
	_ =	sdelay $0x1  }
0x17d: {  	v0 =	vld.idx.msk [tilespmem:v0+s4+$0x0], $0xffff;
	_ =	sdelay $0x4  }
0x17e: {  	[tilespmem:s29+$0x1B740] =	vst v0;
	v0 =	vld [tilespmem:s29+$0x19760]  }
0x17f: {  	v1 =	vld.idx.msk [tilespmem:v1+s4+$0x0], $0xffff;
	_ =	sdelay $0x4  }
0x180: {  	[tilespmem:s29+$0x1B750] =	vst v1;
	v1 =	vld [tilespmem:s29+$0x19770];
	_ =	sdelay $0x1  }
0x181: {  	v0 =	vld.idx.msk [tilespmem:v0+s4+$0x0], $0xffff;
	_ =	sdelay $0x4  }
0x182: {  	[tilespmem:s29+$0x1B760] =	vst v0;
	v0 =	vld [tilespmem:s29+$0x19780]  }
0x183: {  	v1 =	vld.idx.msk [tilespmem:v1+s4+$0x0], $0xffff;
	_ =	sdelay $0x4  }
0x184: {  	[tilespmem:s29+$0x1B770] =	vst v1;
	v1 =	vld [tilespmem:s29+$0x19790];
	_ =	sdelay $0x1  }
0x185: {  	v0 =	vld.idx.msk [tilespmem:v0+s4+$0x0], $0xffff;
	_ =	sdelay $0x4  }
0x186: {  	[tilespmem:s29+$0x1B780] =	vst v0;
	v0 =	vld [tilespmem:s29+$0x197A0]  }
0x187: {  	v1 =	vld.idx.msk [tilespmem:v1+s4+$0x0], $0xffff;
	_ =	sdelay $0x4  }
0x188: {  	[tilespmem:s29+$0x1B790] =	vst v1;
	v1 =	vld [tilespmem:s29+$0x197B0];
	_ =	sdelay $0x1  }
0x189: {  	v0 =	vld.idx.msk [tilespmem:v0+s4+$0x0], $0xffff;
	_ =	sdelay $0x4  }
0x18a: {  	[tilespmem:s29+$0x1B7A0] =	vst v0;
	v0 =	vld [tilespmem:s29+$0x197C0]  }
0x18b: {  	v1 =	vld.idx.msk [tilespmem:v1+s4+$0x0], $0xffff;
	_ =	sdelay $0x4  }
0x18c: {  	[tilespmem:s29+$0x1B7B0] =	vst v1;
	v1 =	vld [tilespmem:s29+$0x197D0];
	_ =	sdelay $0x1  }
0x18d: {  	v0 =	vld.idx.msk [tilespmem:v0+s4+$0x0], $0xffff;
	_ =	sdelay $0x4  }
0x18e: {  	v2 =	vld [tilespmem:s29+$0x197E0];
	[tilespmem:s29+$0x1B7C0] =	vst v0  }
0x18f: {  	v0 =	vld.idx.msk [tilespmem:v1+s4+$0x0], $0xffff;
	_ =	sdelay $0x4  }
0x190: {  	[tilespmem:s29+$0x1B7D0] =	vst v0;
	v0 =	vld [tilespmem:s29+$0x197F0];
	_ =	sdelay $0x1  }
0x191: {  	v1 =	vld.idx.msk [tilespmem:v2+s4+$0x0], $0xffff;
	_ =	sdelay $0x3  }
0x192: {  	s3 =	simm.s32 $0x100;
	s0 =	simm.s32 $0x800  }
.LBB2_9:
0x193: {  	p0 =	sne.s32 s0, $0x3C00;
	v2 =	vld [tilespmem:s3+$0x19700];
	[tilespmem:s29+$0x1B7E0] =	vst v1  }
0x194: {  	v0 =	vld.idx.msk [tilespmem:v0+s4+$0x0], $0xffff;
	_ =	sdelay $0x5  }
0x195: {  	v1 =	vld [tilespmem:s3+$0x19710];
	[tilespmem:s29+$0x1B7F0] =	vst v0;
	s29 =	smov.u32 s3  }
0x196: {  	v0 =	vld.idx.msk [tilespmem:v2+s4+$0x0], $0xffff;
	_ =	sdelay $0x5  }
0x197: {  	[tilespmem:s29+$0x1B700] =	vst v0;
	v0 =	vld [tilespmem:s29+$0x19720]  }
0x198: {  	v1 =	vld.idx.msk [tilespmem:v1+s4+$0x0], $0xffff;
	_ =	sdelay $0x5  }
0x199: {  	[tilespmem:s29+$0x1B710] =	vst v1;
	v1 =	vld [tilespmem:s29+$0x19730]  }
0x19a: {  	v0 =	vld.idx.msk [tilespmem:v0+s4+$0x0], $0xffff;
	_ =	sdelay $0x5  }
0x19b: {  	[tilespmem:s29+$0x1B720] =	vst v0;
	v0 =	vld [tilespmem:s29+$0x19740]  }
0x19c: {  	v1 =	vld.idx.msk [tilespmem:v1+s4+$0x0], $0xffff;
	_ =	sdelay $0x5  }
0x19d: {  	[tilespmem:s29+$0x1B730] =	vst v1;
	v1 =	vld [tilespmem:s29+$0x19750]  }
0x19e: {  	v0 =	vld.idx.msk [tilespmem:v0+s4+$0x0], $0xffff;
	_ =	sdelay $0x5  }
0x19f: {  	[tilespmem:s29+$0x1B740] =	vst v0;
	v0 =	vld [tilespmem:s29+$0x19760]  }
0x1a0: {  	v1 =	vld.idx.msk [tilespmem:v1+s4+$0x0], $0xffff;
	_ =	sdelay $0x5  }
0x1a1: {  	[tilespmem:s29+$0x1B750] =	vst v1;
	v1 =	vld [tilespmem:s29+$0x19770]  }
0x1a2: {  	v0 =	vld.idx.msk [tilespmem:v0+s4+$0x0], $0xffff;
	_ =	sdelay $0x5  }
0x1a3: {  	[tilespmem:s29+$0x1B760] =	vst v0;
	v0 =	vld [tilespmem:s29+$0x19780]  }
0x1a4: {  	v1 =	vld.idx.msk [tilespmem:v1+s4+$0x0], $0xffff;
	_ =	sdelay $0x5  }
0x1a5: {  	[tilespmem:s29+$0x1B770] =	vst v1;
	v1 =	vld [tilespmem:s29+$0x19790]  }
0x1a6: {  	v0 =	vld.idx.msk [tilespmem:v0+s4+$0x0], $0xffff;
	_ =	sdelay $0x5  }
0x1a7: {  	[tilespmem:s29+$0x1B780] =	vst v0;
	v0 =	vld [tilespmem:s29+$0x197A0]  }
0x1a8: {  	v1 =	vld.idx.msk [tilespmem:v1+s4+$0x0], $0xffff;
	_ =	sdelay $0x5  }
0x1a9: {  	[tilespmem:s29+$0x1B790] =	vst v1;
	v1 =	vld [tilespmem:s29+$0x197B0]  }
0x1aa: {  	v0 =	vld.idx.msk [tilespmem:v0+s4+$0x0], $0xffff;
	_ =	sdelay $0x5  }
0x1ab: {  	[tilespmem:s29+$0x1B7A0] =	vst v0;
	v0 =	vld [tilespmem:s29+$0x197C0]  }
0x1ac: {  	v1 =	vld.idx.msk [tilespmem:v1+s4+$0x0], $0xffff;
	_ =	sdelay $0x5  }
0x1ad: {  	[tilespmem:s29+$0x1B7B0] =	vst v1;
	v1 =	vld [tilespmem:s29+$0x197D0]  }
0x1ae: {  	v0 =	vld.idx.msk [tilespmem:v0+s4+$0x0], $0xffff;
	_ =	sdelay $0x5  }
0x1af: {  	[tilespmem:s29+$0x1B7C0] =	vst v0;
	v2 =	vld [tilespmem:s29+$0x197E0]  }
0x1b0: {  	v0 =	vld.idx.msk [tilespmem:v1+s4+$0x0], $0xffff;
	_ =	sdelay $0x5  }
0x1b1: {  	[tilespmem:s29+$0x1B7D0] =	vst v0;
	v0 =	vld [tilespmem:s29+$0x197F0]  }
0x1b2: {  	v1 =	vld.idx.msk [tilespmem:v2+s4+$0x0], $0xffff  }
.Ltmp3:
0x1b3: {  	(pc) =	sbr.rel @p0 .LBB2_9-.Ltmp3, $2  }
0x1b4: {  	_ =	sdelay $0x2  }
0x1b5: {  	s3 =	sshra.s32 s0, $0x2;
	s0 =	sadd.s32 $0x400, s0  }
0x1b6: {  	_ =	sdelay $0x1  }
0x1b7: {  	v2 =	vld [tilespmem:s3+$0x19700]  }
0x1b8: {  	[tilespmem:s29+$0x1B7E0] =	vst v1  }
0x1b9: {  	v0 =	vld.idx.msk [tilespmem:v0+s4+$0x0], $0xffff;
	_ =	sdelay $0x3  }
0x1ba: {  	v1 =	vld [tilespmem:s3+$0x19710]  }
0x1bb: {  	[tilespmem:s29+$0x1B7F0] =	vst v0  }
0x1bc: {  	v0 =	vld.idx.msk [tilespmem:v2+s4+$0x0], $0xffff;
	_ =	sdelay $0x3  }
0x1bd: {  	v50 =	vld [tilespmem:s3+$0x19720]  }
0x1be: {  	[tilespmem:s3+$0x1B700] =	vst v0  }
0x1bf: {  	v1 =	vld.idx.msk [tilespmem:v1+s4+$0x0], $0xffff;
	_ =	sdelay $0x3  }
0x1c0: {  	v51 =	vld [tilespmem:s3+$0x19730]  }
0x1c1: {  	[tilespmem:s3+$0x1B710] =	vst v1  }
0x1c2: {  	v0 =	vld.idx.msk [tilespmem:v50+s4+$0x0], $0xffff;
	_ =	sdelay $0x3  }
0x1c3: {  	v52 =	vld [tilespmem:s3+$0x19740]  }
0x1c4: {  	[tilespmem:s3+$0x1B720] =	vst v0  }
0x1c5: {  	v1 =	vld.idx.msk [tilespmem:v51+s4+$0x0], $0xffff;
	_ =	sdelay $0x3  }
0x1c6: {  	v53 =	vld [tilespmem:s3+$0x19750]  }
0x1c7: {  	[tilespmem:s3+$0x1B730] =	vst v1  }
0x1c8: {  	v0 =	vld.idx.msk [tilespmem:v52+s4+$0x0], $0xffff;
	_ =	sdelay $0x3  }
0x1c9: {  	v54 =	vld [tilespmem:s3+$0x19760]  }
0x1ca: {  	[tilespmem:s3+$0x1B740] =	vst v0  }
0x1cb: {  	v1 =	vld.idx.msk [tilespmem:v53+s4+$0x0], $0xffff;
	_ =	sdelay $0x3  }
0x1cc: {  	v55 =	vld [tilespmem:s3+$0x19770]  }
0x1cd: {  	[tilespmem:s3+$0x1B750] =	vst v1  }
0x1ce: {  	v0 =	vld.idx.msk [tilespmem:v54+s4+$0x0], $0xffff;
	_ =	sdelay $0x3  }
0x1cf: {  	v56 =	vld [tilespmem:s3+$0x19780]  }
0x1d0: {  	[tilespmem:s3+$0x1B760] =	vst v0  }
0x1d1: {  	v1 =	vld.idx.msk [tilespmem:v55+s4+$0x0], $0xffff;
	_ =	sdelay $0x3  }
0x1d2: {  	v57 =	vld [tilespmem:s3+$0x19790]  }
0x1d3: {  	[tilespmem:s3+$0x1B770] =	vst v1  }
0x1d4: {  	v0 =	vld.idx.msk [tilespmem:v56+s4+$0x0], $0xffff;
	_ =	sdelay $0x3  }
0x1d5: {  	v58 =	vld [tilespmem:s3+$0x197A0]  }
0x1d6: {  	[tilespmem:s3+$0x1B780] =	vst v0  }
0x1d7: {  	v1 =	vld.idx.msk [tilespmem:v57+s4+$0x0], $0xffff;
	_ =	sdelay $0x3  }
0x1d8: {  	v59 =	vld [tilespmem:s3+$0x197B0]  }
0x1d9: {  	[tilespmem:s3+$0x1B790] =	vst v1  }
0x1da: {  	v0 =	vld.idx.msk [tilespmem:v58+s4+$0x0], $0xffff;
	_ =	sdelay $0x3  }
0x1db: {  	v60 =	vld [tilespmem:s3+$0x197C0]  }
0x1dc: {  	[tilespmem:s3+$0x1B7A0] =	vst v0  }
0x1dd: {  	v1 =	vld.idx.msk [tilespmem:v59+s4+$0x0], $0xffff;
	_ =	sdelay $0x3  }
0x1de: {  	v61 =	vld [tilespmem:s3+$0x197D0]  }
0x1df: {  	[tilespmem:s3+$0x1B7B0] =	vst v1  }
0x1e0: {  	v0 =	vld.idx.msk [tilespmem:v60+s4+$0x0], $0xffff;
	_ =	sdelay $0x3  }
0x1e1: {  	v62 =	vld [tilespmem:s3+$0x197E0]  }
0x1e2: {  	[tilespmem:s3+$0x1B7C0] =	vst v0  }
0x1e3: {  	v1 =	vld.idx.msk [tilespmem:v61+s4+$0x0], $0xffff;
	_ =	sdelay $0x3  }
0x1e4: {  	v63 =	vld [tilespmem:s3+$0x197F0]  }
0x1e5: {  	[tilespmem:s3+$0x1B7D0] =	vst v1  }
0x1e6: {  	v0 =	vld.idx.msk [tilespmem:v62+s4+$0x0], $0xffff;
	_ =	sdelay $0x4  }
0x1e7: {  	[tilespmem:s3+$0x1B7E0] =	vst v0  }
0x1e8: {  	v0 =	vld.idx.msk [tilespmem:v63+s4+$0x0], $0xffff;
	_ =	sdelay $0x4  }
0x1e9: {  	s0 =	sadd.s32 s28, s12;
	s26 =	sadd.s32 $0x1, s26;
	[tilespmem:s3+$0x1B7F0] =	vst v0  }
0x1ea: {  	[hbm4b:s0+s14] =	stream.strided.scatter [tilespmem:s22], [sflag:$0x5], $0x1000, s15, s14, $0x38;
	[tilespmem:$0x1C700] =	vst v63  }
0x1eb: {  	p0 =	sne.s32 s26, $0xD;
	_ =	swait.ge [sflag:s23], $0x1000  }
.Ltmp4:
0x1ec: {  	[sflag:s23] =	ssyncset.done $0x0;
	(pc) =	sbr.rel @p0 .LBB2_2-.Ltmp4, $4  }
0x1ed: {  	[sflag:s23] =	ssyncadd.s32 $0xFFFFF000  }
0x1ee: {  	_ =	swait.ge [sflag:s24], $0x1000  }
0x1ef: {  	[sflag:s24] =	ssyncset.done $0x0  }
0x1f0: {  	[sflag:s24] =	ssyncadd.s32 $0xFFFFF000  }
0x1f1: {  	s25 =	sadd.s32 $0x1, s25  }
0x1f2: {  	p0 =	sne.s32 s25, s13  }
.Ltmp5:
0x1f3: {  	_ = 	snop;
	(pc) =	sbr.rel @p0 .LBB2_1-.Ltmp5, $1  }
0x1f4: {  	_ =	sdelay $0x3  }
0x1f5: {  	_ =	sfence.sel $0x180000  }
0x1f6: {  	[bflag:$0x0] =	sbarrier.arrive $0xFFFF  }
0x1f7: {  	_ =	strace $0x90000047  }
0x1f8: {  	s0 =	stileid.u32;
	[bflag:$0x2] =	sbarrier.arrive $0xFFFF  }
0x1f9: {  	p0 =	sne.s32 s0, $0x0;
	s0 =	rddreg [dreg:$0x3]  }
0x1fa: {  	s0 =	sadd.s32 @!p0 $0x100000, s0  }
0x1fb: {  	[sflag:s0] =	ssyncadd.tile.s32 @!p0 $0x1;
	_ =	shalt  }
.Lfunc_end2:
_tile_overlayer_lowered:
.L_overlay_start_2:
0x1fc: {  	(tag) =	ssettag $0x2  }
0x1fd: {  	s0 =	rddreg [dreg:$0x0];
	s2 =	stileid.u32  }
0x1fe: {  	s1 =	rddreg [dreg:$0x1];
	p0 =	sne.s32 s2, $0x0  }
0x1ff: {  	s3 =	rddreg [dreg:$0x2];
	[bflag:$0x3] =	sbarrier.arrive $0xFFFF;
	s2 =	simm.s32 @!p0 $0x1C06  }
0x200: {  	[timem:s3], [sflag:s2] =	dma.local @!p0 [hbm:s0], s1  }
0x201: {  	s0 =	simm.s32 @!p0 $0x6  }
0x202: {  	_ =	swait.ge @!p0 [sflag:s0], s1  }
0x203: {  	s1 =	ssub.s32 @!p0 $0x0, s1;
	[sflag:s0] =	ssyncset.done @!p0 $0x0  }
0x204: {  	[sflag:s0] =	ssyncadd.s32 @!p0 s1  }
0x205: {  	[bflag:$0x3] =	sbarrier.arrive $0xFFFF  }
0x206: {  	_ =	shalt  }

</sc_bundles>
